<compile_context>
chip_gen: v7x
topology: tpu7x:2x2x1
jax: 0.10.2.dev20260603
libtpu: 0.0.44.dev20260713+nightly
codegen_flags: <defaults>
</compile_context>

<pallas_src>
import functools

import jax
import jax.numpy as jnp
from jax import lax
from jax.experimental import pallas as pl
from jax.experimental.pallas import tpu as pltpu
from jax.experimental.pallas import tpu_sc as plsc

VOCAB = 1000000
EMB = 64
BATCH = 4096
SEQ = 200

NUM_CORES = 2
NUM_SUBCORES = 16
NW = NUM_CORES * NUM_SUBCORES
SENT_PER_W = BATCH // NW
LANES = 16
NB = SENT_PER_W // LANES

VOCAB_PAD = 1000448
STAGE_CHUNK = 61440
STAGE_LAST_OFF = NUM_SUBCORES * STAGE_CHUNK
STAGE_LAST = VOCAB_PAD - STAGE_LAST_OFF

TC_BLK = 62464
MAIN_V = (VOCAB // TC_BLK) * TC_BLK
TAIL_V = VOCAB - MAIN_V


def _matvec_main_body(db_ref, v_ref, tabt_ref, out_ref):
    out_ref[...] = (
        jax.lax.dot_general(
            v_ref[...],
            tabt_ref[...],
            (((1,), (0,)), ((), ())),
            preferred_element_type=jnp.float32,
        )[0]
        + db_ref[0]
    )


def _matvec_tail_body(db_ref, v_ref, tab_ref, _prev_ref, out_ref):
    out_ref[pl.ds(0, TAIL_V)] = (
        jax.lax.dot_general(
            tab_ref[...],
            v_ref[...],
            (((1,), (1,)), ((), ())),
            preferred_element_type=jnp.float32,
        )[:, 0]
        + db_ref[0]
    )


def _tc_matvec(table, v1, db_arr):
    tabt = table.T
    main = pl.pallas_call(
        _matvec_main_body,
        grid=(MAIN_V // TC_BLK,),
        in_specs=[
            pl.BlockSpec(memory_space=pltpu.SMEM),
            pl.BlockSpec((1, EMB), lambda i: (0, 0)),
            pl.BlockSpec((EMB, TC_BLK), lambda i: (0, i)),
        ],
        out_specs=pl.BlockSpec((TC_BLK,), lambda i: (i,)),
        out_shape=jax.ShapeDtypeStruct((VOCAB_PAD,), jnp.float32),
    )(db_arr, v1, tabt)
    tail_rows = lax.slice(table, (MAIN_V, 0), (VOCAB, EMB))
    return pl.pallas_call(
        _matvec_tail_body,
        grid=(1,),
        in_specs=[
            pl.BlockSpec(memory_space=pltpu.SMEM),
            pl.BlockSpec((1, EMB), lambda i: (0, 0)),
            pl.BlockSpec((TAIL_V, EMB), lambda i: (0, 0)),
            pl.BlockSpec(memory_space=pl.ANY),
        ],
        out_specs=pl.BlockSpec((1024,), lambda i: (MAIN_V // 1024,)),
        out_shape=jax.ShapeDtypeStruct((VOCAB_PAD,), jnp.float32),
        input_output_aliases={3: 0},
    )(db_arr, v1, tail_rows, main)


def _sc_body(sent_hbm, tablev_hbm, out_hbm, idx_v, g_v, o_v, shared_v, sem):
    c = lax.axis_index("c")
    s = lax.axis_index("s")
    wid = s * NUM_CORES + c

    base = s * STAGE_CHUNK

    stage = pltpu.async_copy(
        tablev_hbm.at[pl.ds(base, STAGE_CHUNK)],
        shared_v.at[pl.ds(base, STAGE_CHUNK)],
        sem,
    )

    @pl.when(s == 0)
    def _stage_tail():
        pltpu.async_copy(
            tablev_hbm.at[pl.ds(STAGE_LAST_OFF, STAGE_LAST)],
            shared_v.at[pl.ds(STAGE_LAST_OFF, STAGE_LAST)],
            sem,
        ).wait()

    pltpu.sync_copy(sent_hbm.at[wid], idx_v)
    stage.wait()
    plsc.subcore_barrier()
    pltpu.async_copy(shared_v.at[idx_v], g_v, sem).wait()

    inv_l = jnp.float32(1.0 / SEQ)

    def body(r, accs):
        return tuple(
            a + g_v[pl.ds(r * SENT_PER_W + jb * LANES, LANES)]
            for jb, a in enumerate(accs)
        )

    accs = lax.fori_loop(
        0, SEQ, body, tuple(jnp.zeros((LANES,), jnp.float32) for _ in range(NB))
    )

    for jb in range(NB):
        d = accs[jb] * inv_l
        p0 = 1.0 / (1.0 + jnp.exp(-d))
        o_v[0, pl.ds(jb * LANES, LANES)] = p0
        o_v[1, pl.ds(jb * LANES, LANES)] = 1.0 - p0

    pltpu.sync_copy(o_v.at[0], out_hbm.at[0, wid])
    pltpu.sync_copy(o_v.at[1], out_hbm.at[1, wid])


_sc_kernel = functools.partial(
    pl.kernel,
    out_type=jax.ShapeDtypeStruct((2, NW, SENT_PER_W), jnp.float32),
    mesh=plsc.VectorSubcoreMesh(
        core_axis_name="c",
        subcore_axis_name="s",
        num_cores=NUM_CORES,
        num_subcores=NUM_SUBCORES,
    ),
    scratch_types=[
        pltpu.VMEM((SEQ * SENT_PER_W,), jnp.int32),
        pltpu.VMEM((SEQ * SENT_PER_W,), jnp.float32),
        pltpu.VMEM((2, SENT_PER_W), jnp.float32),
        pltpu.VMEM_SHARED((VOCAB_PAD,), jnp.float32),
        pltpu.SemaphoreType.DMA,
    ],
)(_sc_body)


def kernel(sentence, table, W2, b2):
    v1 = (W2[:, 0] - W2[:, 1]).reshape(1, EMB)
    db_arr = (b2[0] - b2[1]).reshape(1)
    tablev = _tc_matvec(table, v1, db_arr)
    sent_t = sentence.reshape(NW, SENT_PER_W, SEQ).transpose(0, 2, 1).reshape(
        NW, SEQ * SENT_PER_W
    )
    out2 = _sc_kernel(sent_t, tablev)
    return out2.reshape(2, BATCH).T

# --- scband reference (transcript-rebuilt; emitter-appended) ---
"""Pipeline reference for scband-my-model-4741643895286 (READ-ONLY COPY).

The authoritative reference and input builder live on the scoring server;
editing this copy changes nothing except your own understanding.
"""

import jax, jax.numpy as jnp
import numpy as np

VOCAB = 1000000
EMB = 64
B = 4096
L = 200

def setup_inputs(seed: int = 0) -> dict:
    key = jax.random.key(seed)
    k1, k2, k3 = jax.random.split(key, 3)
    sentence = jax.random.randint(k1, (B, L), 0, VOCAB, dtype=jnp.int64 if jax.config.jax_enable_x64 else jnp.int32).astype(jnp.int32)
    table = jax.random.normal(k2, (VOCAB, EMB), dtype=jnp.float32) * 0.05
    W2 = jax.random.normal(k3, (EMB, 2), dtype=jnp.float32) * 0.1
    b2 = jnp.zeros((2,), dtype=jnp.float32)
    return {"sentence": sentence, "table": table, "W2": W2, "b2": b2}

def reference(sentence, table, W2, b2):
    # Embedding lookup (gather)
    emb = jnp.take(table, sentence, axis=0)          # [B, L, EMB]
    # Mean pooling over sequence axis
    sent_emb = jnp.mean(emb, axis=1)                 # [B, EMB]
    # Dense(2, softmax)
    logits = sent_emb @ W2 + b2                      # [B, 2]
    result = jax.nn.softmax(logits, axis=-1)
    return result

if __name__ == "__main__":
    import jax
    _d = setup_inputs()
    print(jax.jit(kernel)(*tuple(_d.values())))

</pallas_src>

<mosaic_0001>
#map = affine_map<(d0, d1) -> (0, 0)>
#map1 = affine_map<(d0, d1) -> (0)>
#map2 = affine_map<(d0, d1) -> (0, 0, 0)>
module attributes {stable_mosaic.version = 14 : i64} {
  func.func @_sc_body(%arg0: i32, %arg1: i32, %arg2: memref<32x25600xi32, #tpu.memory_space<hbm>>, %arg3: memref<1000448xf32, #tpu.memory_space<hbm>>, %arg4: memref<2x32x128xf32, #tpu.memory_space<hbm>>, %arg5: memref<25600xi32, #tpu.memory_space<vmem>>, %arg6: memref<25600xf32, #tpu.memory_space<vmem>>, %arg7: memref<2x128xf32, #tpu.memory_space<vmem>>, %arg8: memref<1000448xf32, #tpu.memory_space<vmem_shared>>, %arg9: memref<!tpu.dma_semaphore, #tpu.memory_space<semaphore_mem>>) attributes {dimension_semantics = [#tpu.dimension_semantics<core_parallel>, #tpu.dimension_semantics<subcore_parallel>], iteration_bounds = array<i64: 2, 16>, scalar_prefetch = 0 : i64, scratch_operands = 5 : i64, tpu.core_type = #tpu.core_type<sc_vector_subcore>, window_params = [{transform_indices = #map}, {transform_indices = #map1}, {transform_indices = #map2}]} {
    %mul3A = arith.constant 2 : i32
    %mul3A_0 = arith.muli %arg1, %mul3A : i32
    %add3A = arith.addi %mul3A_0, %arg0 : i32
    %mul3A_1 = arith.constant 61440 : i32
    %mul3A_2 = arith.muli %arg1, %mul3A_1 : i32
    %dma_start3A = tpu.memref_slice %arg8[%mul3A_2] : memref<1000448xf32, #tpu.memory_space<vmem_shared>> -> memref<61440xf32, #tpu.memory_space<vmem_shared>>
    %dma_start3A_3 = tpu.memref_slice %arg3[%mul3A_2] : memref<1000448xf32, #tpu.memory_space<hbm>> -> memref<61440xf32, #tpu.memory_space<hbm>>
    tpu.enqueue_dma source(%dma_start3A_3 : memref<61440xf32, #tpu.memory_space<hbm>>) target(%dma_start3A : memref<61440xf32, #tpu.memory_space<vmem_shared>>) target_semaphore(%arg9 : memref<!tpu.dma_semaphore, #tpu.memory_space<semaphore_mem>>)
    %eq3A = arith.constant 0 : i32
    %eq3A_4 = arith.cmpi eq, %arg1, %eq3A : i32
    %convert_element_type3A = arith.extui %eq3A_4 : i1 to i32
    %cond3A = arith.constant 0 : i32
    %cond3A_5 = arith.cmpi ne, %convert_element_type3A, %cond3A : i32
    scf.if %cond3A_5 {
      %dma_start3A_253 = arith.constant 983040 : i32
      %dma_start3A_254 = tpu.memref_slice %arg8[%dma_start3A_253] : memref<1000448xf32, #tpu.memory_space<vmem_shared>> -> memref<17408xf32, #tpu.memory_space<vmem_shared>>
      %dma_start3A_255 = arith.constant 983040 : i32
      %dma_start3A_256 = tpu.memref_slice %arg3[%dma_start3A_255] : memref<1000448xf32, #tpu.memory_space<hbm>> -> memref<17408xf32, #tpu.memory_space<hbm>>
      tpu.enqueue_dma source(%dma_start3A_256 : memref<17408xf32, #tpu.memory_space<hbm>>) target(%dma_start3A_254 : memref<17408xf32, #tpu.memory_space<vmem_shared>>) target_semaphore(%arg9 : memref<!tpu.dma_semaphore, #tpu.memory_space<semaphore_mem>>)
      %dma_wait3A_257 = arith.constant 983040 : i32
      %dma_wait3A_258 = tpu.memref_slice %arg8[%dma_wait3A_257] : memref<1000448xf32, #tpu.memory_space<vmem_shared>> -> memref<17408xf32, #tpu.memory_space<vmem_shared>>
      %dma_wait3A_259 = arith.constant 983040 : i32
      %dma_wait3A_260 = tpu.memref_slice %arg3[%dma_wait3A_259] : memref<1000448xf32, #tpu.memory_space<hbm>> -> memref<17408xf32, #tpu.memory_space<hbm>>
      tpu.wait_dma2 semaphore(%arg9 : memref<!tpu.dma_semaphore, #tpu.memory_space<semaphore_mem>>) src(%dma_wait3A_260 : memref<17408xf32, #tpu.memory_space<hbm>>) dst(%dma_wait3A_258 : memref<17408xf32, #tpu.memory_space<vmem_shared>>)
    } else {
    }
    "tpu.region"() ({
      %run_scoped3A_253 = tpu.sem_alloc : memref<!tpu.dma_semaphore, #tpu.memory_space<semaphore_mem>>
      %dma_start3A_254 = arith.constant 0 : i32
      %dma_start3A_255 = tpu.memref_slice %arg2[%add3A, %dma_start3A_254] : memref<32x25600xi32, #tpu.memory_space<hbm>> -> memref<1x25600xi32, #tpu.memory_space<hbm>>
      %dma_start3A_256 = tpu.memref_squeeze %dma_start3A_255 : memref<1x25600xi32, #tpu.memory_space<hbm>> -> memref<25600xi32, #tpu.memory_space<hbm>>
      %dma_start3A_257 = arith.constant 0 : i32
      %dma_start3A_258 = tpu.memref_slice %arg2[%add3A, %dma_start3A_257] : memref<32x25600xi32, #tpu.memory_space<hbm>> -> memref<1x25600xi32, #tpu.memory_space<hbm>>
      %dma_start3A_259 = tpu.memref_squeeze %dma_start3A_258 : memref<1x25600xi32, #tpu.memory_space<hbm>> -> memref<25600xi32, #tpu.memory_space<hbm>>
      tpu.enqueue_dma source(%dma_start3A_259 : memref<25600xi32, #tpu.memory_space<hbm>>) target(%arg5 : memref<25600xi32, #tpu.memory_space<vmem>>) target_semaphore(%run_scoped3A_253 : memref<!tpu.dma_semaphore, #tpu.memory_space<semaphore_mem>>)
      %dma_wait3A_260 = arith.constant 0 : i32
      %dma_wait3A_261 = tpu.memref_slice %arg2[%add3A, %dma_wait3A_260] : memref<32x25600xi32, #tpu.memory_space<hbm>> -> memref<1x25600xi32, #tpu.memory_space<hbm>>
      %dma_wait3A_262 = tpu.memref_squeeze %dma_wait3A_261 : memref<1x25600xi32, #tpu.memory_space<hbm>> -> memref<25600xi32, #tpu.memory_space<hbm>>
      %dma_wait3A_263 = arith.constant 0 : i32
      %dma_wait3A_264 = tpu.memref_slice %arg2[%add3A, %dma_wait3A_263] : memref<32x25600xi32, #tpu.memory_space<hbm>> -> memref<1x25600xi32, #tpu.memory_space<hbm>>
      %dma_wait3A_265 = tpu.memref_squeeze %dma_wait3A_264 : memref<1x25600xi32, #tpu.memory_space<hbm>> -> memref<25600xi32, #tpu.memory_space<hbm>>
      tpu.wait_dma2 semaphore(%run_scoped3A_253 : memref<!tpu.dma_semaphore, #tpu.memory_space<semaphore_mem>>) src(%dma_wait3A_265 : memref<25600xi32, #tpu.memory_space<hbm>>) dst(%arg5 : memref<25600xi32, #tpu.memory_space<vmem>>)
      tpu.yield
    }) : () -> ()
    %dma_wait3A = tpu.memref_slice %arg8[%mul3A_2] : memref<1000448xf32, #tpu.memory_space<vmem_shared>> -> memref<61440xf32, #tpu.memory_space<vmem_shared>>
    %dma_wait3A_6 = tpu.memref_slice %arg3[%mul3A_2] : memref<1000448xf32, #tpu.memory_space<hbm>> -> memref<61440xf32, #tpu.memory_space<hbm>>
    tpu.wait_dma2 semaphore(%arg9 : memref<!tpu.dma_semaphore, #tpu.memory_space<semaphore_mem>>) src(%dma_wait3A_6 : memref<61440xf32, #tpu.memory_space<hbm>>) dst(%dma_wait3A : memref<61440xf32, #tpu.memory_space<vmem_shared>>)
    %barrier3A = arith.constant 0 : index
    tpu.barrier barrier_id(%barrier3A)
    %dma_start3A_7 = arith.constant 0 : i32
    %dma_start3A_8 = tpu.memref_slice %arg8[%dma_start3A_7] : memref<1000448xf32, #tpu.memory_space<vmem_shared>> -> memref<1000448xf32, #tpu.memory_space<vmem_shared>>
    tpu.enqueue_indirect_dma source(%dma_start3A_8 : memref<1000448xf32, #tpu.memory_space<vmem_shared>>) target(%arg6 : memref<25600xf32, #tpu.memory_space<vmem>>) offsets(%arg5 : memref<25600xi32, #tpu.memory_space<vmem>>) semaphore(%arg9 : memref<!tpu.dma_semaphore, #tpu.memory_space<semaphore_mem>>)
    %dma_wait3A_9 = arith.constant 0 : i32
    %dma_wait3A_10 = tpu.memref_slice %arg8[%dma_wait3A_9] : memref<1000448xf32, #tpu.memory_space<vmem_shared>> -> memref<1000448xf32, #tpu.memory_space<vmem_shared>>
    tpu.wait_indirect_dma semaphore(%arg9 : memref<!tpu.dma_semaphore, #tpu.memory_space<semaphore_mem>>) src(%dma_wait3A_10 : memref<1000448xf32, #tpu.memory_space<vmem_shared>>) dst(%arg6 : memref<25600xf32, #tpu.memory_space<vmem>>)
    %broadcast_in_dim3A = arith.constant 0.000000e+00 : f32
    %broadcast_in_dim3A_11 = vector.broadcast %broadcast_in_dim3A : f32 to vector<16xf32>
    %broadcast_in_dim3A_12 = arith.constant 0.000000e+00 : f32
    %broadcast_in_dim3A_13 = vector.broadcast %broadcast_in_dim3A_12 : f32 to vector<16xf32>
    %broadcast_in_dim3A_14 = arith.constant 0.000000e+00 : f32
    %broadcast_in_dim3A_15 = vector.broadcast %broadcast_in_dim3A_14 : f32 to vector<16xf32>
    %broadcast_in_dim3A_16 = arith.constant 0.000000e+00 : f32
    %broadcast_in_dim3A_17 = vector.broadcast %broadcast_in_dim3A_16 : f32 to vector<16xf32>
    %broadcast_in_dim3A_18 = arith.constant 0.000000e+00 : f32
    %broadcast_in_dim3A_19 = vector.broadcast %broadcast_in_dim3A_18 : f32 to vector<16xf32>
    %broadcast_in_dim3A_20 = arith.constant 0.000000e+00 : f32
    %broadcast_in_dim3A_21 = vector.broadcast %broadcast_in_dim3A_20 : f32 to vector<16xf32>
    %broadcast_in_dim3A_22 = arith.constant 0.000000e+00 : f32
    %broadcast_in_dim3A_23 = vector.broadcast %broadcast_in_dim3A_22 : f32 to vector<16xf32>
    %broadcast_in_dim3A_24 = arith.constant 0.000000e+00 : f32
    %broadcast_in_dim3A_25 = vector.broadcast %broadcast_in_dim3A_24 : f32 to vector<16xf32>
    %scan3A = arith.constant 0 : i32
    %scan3A_26 = arith.constant 200 : i32
    %scan3A_27 = arith.addi %scan3A, %scan3A_26 : i32
    %scan3A_28 = arith.constant 1 : i32
    %scan3A_29:8 = scf.for %scan3A_253 = %scan3A to %scan3A_27 step %scan3A_28 iter_args(%scan3A_254 = %broadcast_in_dim3A_11, %scan3A_255 = %broadcast_in_dim3A_13, %scan3A_256 = %broadcast_in_dim3A_15, %scan3A_257 = %broadcast_in_dim3A_17, %scan3A_258 = %broadcast_in_dim3A_19, %scan3A_259 = %broadcast_in_dim3A_21, %scan3A_260 = %broadcast_in_dim3A_23, %scan3A_261 = %broadcast_in_dim3A_25) -> (vector<16xf32>, vector<16xf32>, vector<16xf32>, vector<16xf32>, vector<16xf32>, vector<16xf32>, vector<16xf32>, vector<16xf32>)  : i32 {
      %mul3A_262 = arith.constant 128 : i32
      %mul3A_263 = arith.muli %scan3A_253, %mul3A_262 : i32
      %add3A_264 = arith.constant 0 : i32
      %add3A_265 = arith.addi %mul3A_263, %add3A_264 : i32
      %get3A = arith.index_cast %add3A_265 : i32 to index
      %get3A_266 = tpu.vector_load %arg6[%get3A] {strides = array<i32>} : memref<25600xf32, #tpu.memory_space<vmem>>, vector<16xf32>,
      %get3A_267 = vector.shape_cast %get3A_266 : vector<16xf32> to vector<16xf32>
      %add3A_268 = arith.addf %scan3A_254, %get3A_267 : vector<16xf32>
      %mul3A_269 = arith.constant 128 : i32
      %mul3A_270 = arith.muli %scan3A_253, %mul3A_269 : i32
      %add3A_271 = arith.constant 16 : i32
      %add3A_272 = arith.addi %mul3A_270, %add3A_271 : i32
      %get3A_273 = arith.index_cast %add3A_272 : i32 to index
      %get3A_274 = tpu.vector_load %arg6[%get3A_273] {strides = array<i32>} : memref<25600xf32, #tpu.memory_space<vmem>>, vector<16xf32>,
      %get3A_275 = vector.shape_cast %get3A_274 : vector<16xf32> to vector<16xf32>
      %add3A_276 = arith.addf %scan3A_255, %get3A_275 : vector<16xf32>
      %mul3A_277 = arith.constant 128 : i32
      %mul3A_278 = arith.muli %scan3A_253, %mul3A_277 : i32
      %add3A_279 = arith.constant 32 : i32
      %add3A_280 = arith.addi %mul3A_278, %add3A_279 : i32
      %get3A_281 = arith.index_cast %add3A_280 : i32 to index
      %get3A_282 = tpu.vector_load %arg6[%get3A_281] {strides = array<i32>} : memref<25600xf32, #tpu.memory_space<vmem>>, vector<16xf32>,
      %get3A_283 = vector.shape_cast %get3A_282 : vector<16xf32> to vector<16xf32>
      %add3A_284 = arith.addf %scan3A_256, %get3A_283 : vector<16xf32>
      %mul3A_285 = arith.constant 128 : i32
      %mul3A_286 = arith.muli %scan3A_253, %mul3A_285 : i32
      %add3A_287 = arith.constant 48 : i32
      %add3A_288 = arith.addi %mul3A_286, %add3A_287 : i32
      %get3A_289 = arith.index_cast %add3A_288 : i32 to index
      %get3A_290 = tpu.vector_load %arg6[%get3A_289] {strides = array<i32>} : memref<25600xf32, #tpu.memory_space<vmem>>, vector<16xf32>,
      %get3A_291 = vector.shape_cast %get3A_290 : vector<16xf32> to vector<16xf32>
      %add3A_292 = arith.addf %scan3A_257, %get3A_291 : vector<16xf32>
      %mul3A_293 = arith.constant 128 : i32
      %mul3A_294 = arith.muli %scan3A_253, %mul3A_293 : i32
      %add3A_295 = arith.constant 64 : i32
      %add3A_296 = arith.addi %mul3A_294, %add3A_295 : i32
      %get3A_297 = arith.index_cast %add3A_296 : i32 to index
      %get3A_298 = tpu.vector_load %arg6[%get3A_297] {strides = array<i32>} : memref<25600xf32, #tpu.memory_space<vmem>>, vector<16xf32>,
      %get3A_299 = vector.shape_cast %get3A_298 : vector<16xf32> to vector<16xf32>
      %add3A_300 = arith.addf %scan3A_258, %get3A_299 : vector<16xf32>
      %mul3A_301 = arith.constant 128 : i32
      %mul3A_302 = arith.muli %scan3A_253, %mul3A_301 : i32
      %add3A_303 = arith.constant 80 : i32
      %add3A_304 = arith.addi %mul3A_302, %add3A_303 : i32
      %get3A_305 = arith.index_cast %add3A_304 : i32 to index
      %get3A_306 = tpu.vector_load %arg6[%get3A_305] {strides = array<i32>} : memref<25600xf32, #tpu.memory_space<vmem>>, vector<16xf32>,
      %get3A_307 = vector.shape_cast %get3A_306 : vector<16xf32> to vector<16xf32>
      %add3A_308 = arith.addf %scan3A_259, %get3A_307 : vector<16xf32>
      %mul3A_309 = arith.constant 128 : i32
      %mul3A_310 = arith.muli %scan3A_253, %mul3A_309 : i32
      %add3A_311 = arith.constant 96 : i32
      %add3A_312 = arith.addi %mul3A_310, %add3A_311 : i32
      %get3A_313 = arith.index_cast %add3A_312 : i32 to index
      %get3A_314 = tpu.vector_load %arg6[%get3A_313] {strides = array<i32>} : memref<25600xf32, #tpu.memory_space<vmem>>, vector<16xf32>,
      %get3A_315 = vector.shape_cast %get3A_314 : vector<16xf32> to vector<16xf32>
      %add3A_316 = arith.addf %scan3A_260, %get3A_315 : vector<16xf32>
      %mul3A_317 = arith.constant 128 : i32
      %mul3A_318 = arith.muli %scan3A_253, %mul3A_317 : i32
      %add3A_319 = arith.constant 112 : i32
      %add3A_320 = arith.addi %mul3A_318, %add3A_319 : i32
      %get3A_321 = arith.index_cast %add3A_320 : i32 to index
      %get3A_322 = tpu.vector_load %arg6[%get3A_321] {strides = array<i32>} : memref<25600xf32, #tpu.memory_space<vmem>>, vector<16xf32>,
      %get3A_323 = vector.shape_cast %get3A_322 : vector<16xf32> to vector<16xf32>
      %add3A_324 = arith.addf %scan3A_261, %get3A_323 : vector<16xf32>
      scf.yield %add3A_268, %add3A_276, %add3A_284, %add3A_292, %add3A_300, %add3A_308, %add3A_316, %add3A_324 : vector<16xf32>, vector<16xf32>, vector<16xf32>, vector<16xf32>, vector<16xf32>, vector<16xf32>, vector<16xf32>, vector<16xf32>
    }
    %scan3A_30 = arith.constant 200 : i32
    %mul3A_31 = arith.constant 5.000000e-03 : f32
    %mul3A_32 = vector.broadcast %mul3A_31 : f32 to vector<16xf32>
    %mul3A_33 = arith.mulf %scan3A_29#0, %mul3A_32 : vector<16xf32>
    %neg3A = arith.constant 0.000000e+00 : f32
    %neg3A_34 = vector.broadcast %neg3A : f32 to vector<16xf32>
    %neg3A_35 = arith.subf %neg3A_34, %mul3A_33 : vector<16xf32>
    %exp3A = math.exp %neg3A_35 : vector<16xf32>
    %add3A_36 = arith.constant 1.000000e+00 : f32
    %add3A_37 = vector.broadcast %add3A_36 : f32 to vector<16xf32>
    %add3A_38 = arith.addf %add3A_37, %exp3A : vector<16xf32>
    %div3A = arith.constant 1.000000e+00 : f32
    %div3A_39 = vector.broadcast %div3A : f32 to vector<16xf32>
    %div3A_40 = arith.divf %div3A_39, %add3A_38 : vector<16xf32>
    %swap3A = arith.constant 0 : i32
    %swap3A_41 = arith.index_cast %swap3A : i32 to index
    %swap3A_42 = arith.constant 0 : index
    %swap3A_43 = tpu.vector_load %arg7[%swap3A_41, %swap3A_42] {strides = array<i32>} : memref<2x128xf32, #tpu.memory_space<vmem>>, vector<1x16xf32>,
    %swap3A_44 = vector.shape_cast %swap3A_43 : vector<1x16xf32> to vector<16xf32>
    %swap3A_45 = vector.shape_cast %div3A_40 : vector<16xf32> to vector<1x16xf32>
    tpu.vector_store %arg7[%swap3A_41, %swap3A_42], %swap3A_45 {strides = array<i32>} : memref<2x128xf32, #tpu.memory_space<vmem>>, vector<1x16xf32>,
    %sub3A = arith.constant 1.000000e+00 : f32
    %sub3A_46 = vector.broadcast %sub3A : f32 to vector<16xf32>
    %sub3A_47 = arith.subf %sub3A_46, %div3A_40 : vector<16xf32>
    %swap3A_48 = arith.constant 1 : i32
    %swap3A_49 = arith.index_cast %swap3A_48 : i32 to index
    %swap3A_50 = arith.constant 0 : index
    %swap3A_51 = tpu.vector_load %arg7[%swap3A_49, %swap3A_50] {strides = array<i32>} : memref<2x128xf32, #tpu.memory_space<vmem>>, vector<1x16xf32>,
    %swap3A_52 = vector.shape_cast %swap3A_51 : vector<1x16xf32> to vector<16xf32>
    %swap3A_53 = vector.shape_cast %sub3A_47 : vector<16xf32> to vector<1x16xf32>
    tpu.vector_store %arg7[%swap3A_49, %swap3A_50], %swap3A_53 {strides = array<i32>} : memref<2x128xf32, #tpu.memory_space<vmem>>, vector<1x16xf32>,
    %mul3A_54 = arith.constant 5.000000e-03 : f32
    %mul3A_55 = vector.broadcast %mul3A_54 : f32 to vector<16xf32>
    %mul3A_56 = arith.mulf %scan3A_29#1, %mul3A_55 : vector<16xf32>
    %neg3A_57 = arith.constant 0.000000e+00 : f32
    %neg3A_58 = vector.broadcast %neg3A_57 : f32 to vector<16xf32>
    %neg3A_59 = arith.subf %neg3A_58, %mul3A_56 : vector<16xf32>
    %exp3A_60 = math.exp %neg3A_59 : vector<16xf32>
    %add3A_61 = arith.constant 1.000000e+00 : f32
    %add3A_62 = vector.broadcast %add3A_61 : f32 to vector<16xf32>
    %add3A_63 = arith.addf %add3A_62, %exp3A_60 : vector<16xf32>
    %div3A_64 = arith.constant 1.000000e+00 : f32
    %div3A_65 = vector.broadcast %div3A_64 : f32 to vector<16xf32>
    %div3A_66 = arith.divf %div3A_65, %add3A_63 : vector<16xf32>
    %swap3A_67 = arith.constant 0 : i32
    %swap3A_68 = arith.index_cast %swap3A_67 : i32 to index
    %swap3A_69 = arith.constant 16 : index
    %swap3A_70 = tpu.vector_load %arg7[%swap3A_68, %swap3A_69] {strides = array<i32>} : memref<2x128xf32, #tpu.memory_space<vmem>>, vector<1x16xf32>,
    %swap3A_71 = vector.shape_cast %swap3A_70 : vector<1x16xf32> to vector<16xf32>
    %swap3A_72 = vector.shape_cast %div3A_66 : vector<16xf32> to vector<1x16xf32>
    tpu.vector_store %arg7[%swap3A_68, %swap3A_69], %swap3A_72 {strides = array<i32>} : memref<2x128xf32, #tpu.memory_space<vmem>>, vector<1x16xf32>,
    %sub3A_73 = arith.constant 1.000000e+00 : f32
    %sub3A_74 = vector.broadcast %sub3A_73 : f32 to vector<16xf32>
    %sub3A_75 = arith.subf %sub3A_74, %div3A_66 : vector<16xf32>
    %swap3A_76 = arith.constant 1 : i32
    %swap3A_77 = arith.index_cast %swap3A_76 : i32 to index
    %swap3A_78 = arith.constant 16 : index
    %swap3A_79 = tpu.vector_load %arg7[%swap3A_77, %swap3A_78] {strides = array<i32>} : memref<2x128xf32, #tpu.memory_space<vmem>>, vector<1x16xf32>,
    %swap3A_80 = vector.shape_cast %swap3A_79 : vector<1x16xf32> to vector<16xf32>
    %swap3A_81 = vector.shape_cast %sub3A_75 : vector<16xf32> to vector<1x16xf32>
    tpu.vector_store %arg7[%swap3A_77, %swap3A_78], %swap3A_81 {strides = array<i32>} : memref<2x128xf32, #tpu.memory_space<vmem>>, vector<1x16xf32>,
    %mul3A_82 = arith.constant 5.000000e-03 : f32
    %mul3A_83 = vector.broadcast %mul3A_82 : f32 to vector<16xf32>
    %mul3A_84 = arith.mulf %scan3A_29#2, %mul3A_83 : vector<16xf32>
    %neg3A_85 = arith.constant 0.000000e+00 : f32
    %neg3A_86 = vector.broadcast %neg3A_85 : f32 to vector<16xf32>
    %neg3A_87 = arith.subf %neg3A_86, %mul3A_84 : vector<16xf32>
    %exp3A_88 = math.exp %neg3A_87 : vector<16xf32>
    %add3A_89 = arith.constant 1.000000e+00 : f32
    %add3A_90 = vector.broadcast %add3A_89 : f32 to vector<16xf32>
    %add3A_91 = arith.addf %add3A_90, %exp3A_88 : vector<16xf32>
    %div3A_92 = arith.constant 1.000000e+00 : f32
    %div3A_93 = vector.broadcast %div3A_92 : f32 to vector<16xf32>
    %div3A_94 = arith.divf %div3A_93, %add3A_91 : vector<16xf32>
    %swap3A_95 = arith.constant 0 : i32
    %swap3A_96 = arith.index_cast %swap3A_95 : i32 to index
    %swap3A_97 = arith.constant 32 : index
    %swap3A_98 = tpu.vector_load %arg7[%swap3A_96, %swap3A_97] {strides = array<i32>} : memref<2x128xf32, #tpu.memory_space<vmem>>, vector<1x16xf32>,
    %swap3A_99 = vector.shape_cast %swap3A_98 : vector<1x16xf32> to vector<16xf32>
    %swap3A_100 = vector.shape_cast %div3A_94 : vector<16xf32> to vector<1x16xf32>
    tpu.vector_store %arg7[%swap3A_96, %swap3A_97], %swap3A_100 {strides = array<i32>} : memref<2x128xf32, #tpu.memory_space<vmem>>, vector<1x16xf32>,
    %sub3A_101 = arith.constant 1.000000e+00 : f32
    %sub3A_102 = vector.broadcast %sub3A_101 : f32 to vector<16xf32>
    %sub3A_103 = arith.subf %sub3A_102, %div3A_94 : vector<16xf32>
    %swap3A_104 = arith.constant 1 : i32
    %swap3A_105 = arith.index_cast %swap3A_104 : i32 to index
    %swap3A_106 = arith.constant 32 : index
    %swap3A_107 = tpu.vector_load %arg7[%swap3A_105, %swap3A_106] {strides = array<i32>} : memref<2x128xf32, #tpu.memory_space<vmem>>, vector<1x16xf32>,
    %swap3A_108 = vector.shape_cast %swap3A_107 : vector<1x16xf32> to vector<16xf32>
    %swap3A_109 = vector.shape_cast %sub3A_103 : vector<16xf32> to vector<1x16xf32>
    tpu.vector_store %arg7[%swap3A_105, %swap3A_106], %swap3A_109 {strides = array<i32>} : memref<2x128xf32, #tpu.memory_space<vmem>>, vector<1x16xf32>,
    %mul3A_110 = arith.constant 5.000000e-03 : f32
    %mul3A_111 = vector.broadcast %mul3A_110 : f32 to vector<16xf32>
    %mul3A_112 = arith.mulf %scan3A_29#3, %mul3A_111 : vector<16xf32>
    %neg3A_113 = arith.constant 0.000000e+00 : f32
    %neg3A_114 = vector.broadcast %neg3A_113 : f32 to vector<16xf32>
    %neg3A_115 = arith.subf %neg3A_114, %mul3A_112 : vector<16xf32>
    %exp3A_116 = math.exp %neg3A_115 : vector<16xf32>
    %add3A_117 = arith.constant 1.000000e+00 : f32
    %add3A_118 = vector.broadcast %add3A_117 : f32 to vector<16xf32>
    %add3A_119 = arith.addf %add3A_118, %exp3A_116 : vector<16xf32>
    %div3A_120 = arith.constant 1.000000e+00 : f32
    %div3A_121 = vector.broadcast %div3A_120 : f32 to vector<16xf32>
    %div3A_122 = arith.divf %div3A_121, %add3A_119 : vector<16xf32>
    %swap3A_123 = arith.constant 0 : i32
    %swap3A_124 = arith.index_cast %swap3A_123 : i32 to index
    %swap3A_125 = arith.constant 48 : index
    %swap3A_126 = tpu.vector_load %arg7[%swap3A_124, %swap3A_125] {strides = array<i32>} : memref<2x128xf32, #tpu.memory_space<vmem>>, vector<1x16xf32>,
    %swap3A_127 = vector.shape_cast %swap3A_126 : vector<1x16xf32> to vector<16xf32>
    %swap3A_128 = vector.shape_cast %div3A_122 : vector<16xf32> to vector<1x16xf32>
    tpu.vector_store %arg7[%swap3A_124, %swap3A_125], %swap3A_128 {strides = array<i32>} : memref<2x128xf32, #tpu.memory_space<vmem>>, vector<1x16xf32>,
    %sub3A_129 = arith.constant 1.000000e+00 : f32
    %sub3A_130 = vector.broadcast %sub3A_129 : f32 to vector<16xf32>
    %sub3A_131 = arith.subf %sub3A_130, %div3A_122 : vector<16xf32>
    %swap3A_132 = arith.constant 1 : i32
    %swap3A_133 = arith.index_cast %swap3A_132 : i32 to index
    %swap3A_134 = arith.constant 48 : index
    %swap3A_135 = tpu.vector_load %arg7[%swap3A_133, %swap3A_134] {strides = array<i32>} : memref<2x128xf32, #tpu.memory_space<vmem>>, vector<1x16xf32>,
    %swap3A_136 = vector.shape_cast %swap3A_135 : vector<1x16xf32> to vector<16xf32>
    %swap3A_137 = vector.shape_cast %sub3A_131 : vector<16xf32> to vector<1x16xf32>
    tpu.vector_store %arg7[%swap3A_133, %swap3A_134], %swap3A_137 {strides = array<i32>} : memref<2x128xf32, #tpu.memory_space<vmem>>, vector<1x16xf32>,
    %mul3A_138 = arith.constant 5.000000e-03 : f32
    %mul3A_139 = vector.broadcast %mul3A_138 : f32 to vector<16xf32>
    %mul3A_140 = arith.mulf %scan3A_29#4, %mul3A_139 : vector<16xf32>
    %neg3A_141 = arith.constant 0.000000e+00 : f32
    %neg3A_142 = vector.broadcast %neg3A_141 : f32 to vector<16xf32>
    %neg3A_143 = arith.subf %neg3A_142, %mul3A_140 : vector<16xf32>
    %exp3A_144 = math.exp %neg3A_143 : vector<16xf32>
    %add3A_145 = arith.constant 1.000000e+00 : f32
    %add3A_146 = vector.broadcast %add3A_145 : f32 to vector<16xf32>
    %add3A_147 = arith.addf %add3A_146, %exp3A_144 : vector<16xf32>
    %div3A_148 = arith.constant 1.000000e+00 : f32
    %div3A_149 = vector.broadcast %div3A_148 : f32 to vector<16xf32>
    %div3A_150 = arith.divf %div3A_149, %add3A_147 : vector<16xf32>
    %swap3A_151 = arith.constant 0 : i32
    %swap3A_152 = arith.index_cast %swap3A_151 : i32 to index
    %swap3A_153 = arith.constant 64 : index
    %swap3A_154 = tpu.vector_load %arg7[%swap3A_152, %swap3A_153] {strides = array<i32>} : memref<2x128xf32, #tpu.memory_space<vmem>>, vector<1x16xf32>,
    %swap3A_155 = vector.shape_cast %swap3A_154 : vector<1x16xf32> to vector<16xf32>
    %swap3A_156 = vector.shape_cast %div3A_150 : vector<16xf32> to vector<1x16xf32>
    tpu.vector_store %arg7[%swap3A_152, %swap3A_153], %swap3A_156 {strides = array<i32>} : memref<2x128xf32, #tpu.memory_space<vmem>>, vector<1x16xf32>,
    %sub3A_157 = arith.constant 1.000000e+00 : f32
    %sub3A_158 = vector.broadcast %sub3A_157 : f32 to vector<16xf32>
    %sub3A_159 = arith.subf %sub3A_158, %div3A_150 : vector<16xf32>
    %swap3A_160 = arith.constant 1 : i32
    %swap3A_161 = arith.index_cast %swap3A_160 : i32 to index
    %swap3A_162 = arith.constant 64 : index
    %swap3A_163 = tpu.vector_load %arg7[%swap3A_161, %swap3A_162] {strides = array<i32>} : memref<2x128xf32, #tpu.memory_space<vmem>>, vector<1x16xf32>,
    %swap3A_164 = vector.shape_cast %swap3A_163 : vector<1x16xf32> to vector<16xf32>
    %swap3A_165 = vector.shape_cast %sub3A_159 : vector<16xf32> to vector<1x16xf32>
    tpu.vector_store %arg7[%swap3A_161, %swap3A_162], %swap3A_165 {strides = array<i32>} : memref<2x128xf32, #tpu.memory_space<vmem>>, vector<1x16xf32>,
    %mul3A_166 = arith.constant 5.000000e-03 : f32
    %mul3A_167 = vector.broadcast %mul3A_166 : f32 to vector<16xf32>
    %mul3A_168 = arith.mulf %scan3A_29#5, %mul3A_167 : vector<16xf32>
    %neg3A_169 = arith.constant 0.000000e+00 : f32
    %neg3A_170 = vector.broadcast %neg3A_169 : f32 to vector<16xf32>
    %neg3A_171 = arith.subf %neg3A_170, %mul3A_168 : vector<16xf32>
    %exp3A_172 = math.exp %neg3A_171 : vector<16xf32>
    %add3A_173 = arith.constant 1.000000e+00 : f32
    %add3A_174 = vector.broadcast %add3A_173 : f32 to vector<16xf32>
    %add3A_175 = arith.addf %add3A_174, %exp3A_172 : vector<16xf32>
    %div3A_176 = arith.constant 1.000000e+00 : f32
    %div3A_177 = vector.broadcast %div3A_176 : f32 to vector<16xf32>
    %div3A_178 = arith.divf %div3A_177, %add3A_175 : vector<16xf32>
    %swap3A_179 = arith.constant 0 : i32
    %swap3A_180 = arith.index_cast %swap3A_179 : i32 to index
    %swap3A_181 = arith.constant 80 : index
    %swap3A_182 = tpu.vector_load %arg7[%swap3A_180, %swap3A_181] {strides = array<i32>} : memref<2x128xf32, #tpu.memory_space<vmem>>, vector<1x16xf32>,
    %swap3A_183 = vector.shape_cast %swap3A_182 : vector<1x16xf32> to vector<16xf32>
    %swap3A_184 = vector.shape_cast %div3A_178 : vector<16xf32> to vector<1x16xf32>
    tpu.vector_store %arg7[%swap3A_180, %swap3A_181], %swap3A_184 {strides = array<i32>} : memref<2x128xf32, #tpu.memory_space<vmem>>, vector<1x16xf32>,
    %sub3A_185 = arith.constant 1.000000e+00 : f32
    %sub3A_186 = vector.broadcast %sub3A_185 : f32 to vector<16xf32>
    %sub3A_187 = arith.subf %sub3A_186, %div3A_178 : vector<16xf32>
    %swap3A_188 = arith.constant 1 : i32
    %swap3A_189 = arith.index_cast %swap3A_188 : i32 to index
    %swap3A_190 = arith.constant 80 : index
    %swap3A_191 = tpu.vector_load %arg7[%swap3A_189, %swap3A_190] {strides = array<i32>} : memref<2x128xf32, #tpu.memory_space<vmem>>, vector<1x16xf32>,
    %swap3A_192 = vector.shape_cast %swap3A_191 : vector<1x16xf32> to vector<16xf32>
    %swap3A_193 = vector.shape_cast %sub3A_187 : vector<16xf32> to vector<1x16xf32>
    tpu.vector_store %arg7[%swap3A_189, %swap3A_190], %swap3A_193 {strides = array<i32>} : memref<2x128xf32, #tpu.memory_space<vmem>>, vector<1x16xf32>,
    %mul3A_194 = arith.constant 5.000000e-03 : f32
    %mul3A_195 = vector.broadcast %mul3A_194 : f32 to vector<16xf32>
    %mul3A_196 = arith.mulf %scan3A_29#6, %mul3A_195 : vector<16xf32>
    %neg3A_197 = arith.constant 0.000000e+00 : f32
    %neg3A_198 = vector.broadcast %neg3A_197 : f32 to vector<16xf32>
    %neg3A_199 = arith.subf %neg3A_198, %mul3A_196 : vector<16xf32>
    %exp3A_200 = math.exp %neg3A_199 : vector<16xf32>
    %add3A_201 = arith.constant 1.000000e+00 : f32
    %add3A_202 = vector.broadcast %add3A_201 : f32 to vector<16xf32>
    %add3A_203 = arith.addf %add3A_202, %exp3A_200 : vector<16xf32>
    %div3A_204 = arith.constant 1.000000e+00 : f32
    %div3A_205 = vector.broadcast %div3A_204 : f32 to vector<16xf32>
    %div3A_206 = arith.divf %div3A_205, %add3A_203 : vector<16xf32>
    %swap3A_207 = arith.constant 0 : i32
    %swap3A_208 = arith.index_cast %swap3A_207 : i32 to index
    %swap3A_209 = arith.constant 96 : index
    %swap3A_210 = tpu.vector_load %arg7[%swap3A_208, %swap3A_209] {strides = array<i32>} : memref<2x128xf32, #tpu.memory_space<vmem>>, vector<1x16xf32>,
    %swap3A_211 = vector.shape_cast %swap3A_210 : vector<1x16xf32> to vector<16xf32>
    %swap3A_212 = vector.shape_cast %div3A_206 : vector<16xf32> to vector<1x16xf32>
    tpu.vector_store %arg7[%swap3A_208, %swap3A_209], %swap3A_212 {strides = array<i32>} : memref<2x128xf32, #tpu.memory_space<vmem>>, vector<1x16xf32>,
    %sub3A_213 = arith.constant 1.000000e+00 : f32
    %sub3A_214 = vector.broadcast %sub3A_213 : f32 to vector<16xf32>
    %sub3A_215 = arith.subf %sub3A_214, %div3A_206 : vector<16xf32>
    %swap3A_216 = arith.constant 1 : i32
    %swap3A_217 = arith.index_cast %swap3A_216 : i32 to index
    %swap3A_218 = arith.constant 96 : index
    %swap3A_219 = tpu.vector_load %arg7[%swap3A_217, %swap3A_218] {strides = array<i32>} : memref<2x128xf32, #tpu.memory_space<vmem>>, vector<1x16xf32>,
    %swap3A_220 = vector.shape_cast %swap3A_219 : vector<1x16xf32> to vector<16xf32>
    %swap3A_221 = vector.shape_cast %sub3A_215 : vector<16xf32> to vector<1x16xf32>
    tpu.vector_store %arg7[%swap3A_217, %swap3A_218], %swap3A_221 {strides = array<i32>} : memref<2x128xf32, #tpu.memory_space<vmem>>, vector<1x16xf32>,
    %mul3A_222 = arith.constant 5.000000e-03 : f32
    %mul3A_223 = vector.broadcast %mul3A_222 : f32 to vector<16xf32>
    %mul3A_224 = arith.mulf %scan3A_29#7, %mul3A_223 : vector<16xf32>
    %neg3A_225 = arith.constant 0.000000e+00 : f32
    %neg3A_226 = vector.broadcast %neg3A_225 : f32 to vector<16xf32>
    %neg3A_227 = arith.subf %neg3A_226, %mul3A_224 : vector<16xf32>
    %exp3A_228 = math.exp %neg3A_227 : vector<16xf32>
    %add3A_229 = arith.constant 1.000000e+00 : f32
    %add3A_230 = vector.broadcast %add3A_229 : f32 to vector<16xf32>
    %add3A_231 = arith.addf %add3A_230, %exp3A_228 : vector<16xf32>
    %div3A_232 = arith.constant 1.000000e+00 : f32
    %div3A_233 = vector.broadcast %div3A_232 : f32 to vector<16xf32>
    %div3A_234 = arith.divf %div3A_233, %add3A_231 : vector<16xf32>
    %swap3A_235 = arith.constant 0 : i32
    %swap3A_236 = arith.index_cast %swap3A_235 : i32 to index
    %swap3A_237 = arith.constant 112 : index
    %swap3A_238 = tpu.vector_load %arg7[%swap3A_236, %swap3A_237] {strides = array<i32>} : memref<2x128xf32, #tpu.memory_space<vmem>>, vector<1x16xf32>,
    %swap3A_239 = vector.shape_cast %swap3A_238 : vector<1x16xf32> to vector<16xf32>
    %swap3A_240 = vector.shape_cast %div3A_234 : vector<16xf32> to vector<1x16xf32>
    tpu.vector_store %arg7[%swap3A_236, %swap3A_237], %swap3A_240 {strides = array<i32>} : memref<2x128xf32, #tpu.memory_space<vmem>>, vector<1x16xf32>,
    %sub3A_241 = arith.constant 1.000000e+00 : f32
    %sub3A_242 = vector.broadcast %sub3A_241 : f32 to vector<16xf32>
    %sub3A_243 = arith.subf %sub3A_242, %div3A_234 : vector<16xf32>
    %swap3A_244 = arith.constant 1 : i32
    %swap3A_245 = arith.index_cast %swap3A_244 : i32 to index
    %swap3A_246 = arith.constant 112 : index
    %swap3A_247 = tpu.vector_load %arg7[%swap3A_245, %swap3A_246] {strides = array<i32>} : memref<2x128xf32, #tpu.memory_space<vmem>>, vector<1x16xf32>,
    %swap3A_248 = vector.shape_cast %swap3A_247 : vector<1x16xf32> to vector<16xf32>
    %swap3A_249 = vector.shape_cast %sub3A_243 : vector<16xf32> to vector<1x16xf32>
    tpu.vector_store %arg7[%swap3A_245, %swap3A_246], %swap3A_249 {strides = array<i32>} : memref<2x128xf32, #tpu.memory_space<vmem>>, vector<1x16xf32>,
    %run_scoped3A = arith.constant 0 : i32
    %run_scoped3A_250 = arith.constant 0 : i32
    "tpu.region"() ({
      %run_scoped3A_253 = tpu.sem_alloc : memref<!tpu.dma_semaphore, #tpu.memory_space<semaphore_mem>>
      %dma_start3A_254 = arith.constant 0 : i32
      %dma_start3A_255 = tpu.memref_slice %arg7[%run_scoped3A, %dma_start3A_254] : memref<2x128xf32, #tpu.memory_space<vmem>> -> memref<1x128xf32, #tpu.memory_space<vmem>>
      %dma_start3A_256 = tpu.memref_squeeze %dma_start3A_255 : memref<1x128xf32, #tpu.memory_space<vmem>> -> memref<128xf32, #tpu.memory_space<vmem>>
      %dma_start3A_257 = arith.constant 0 : i32
      %dma_start3A_258 = tpu.memref_slice %arg4[%run_scoped3A_250, %add3A, %dma_start3A_257] : memref<2x32x128xf32, #tpu.memory_space<hbm>> -> memref<1x1x128xf32, #tpu.memory_space<hbm>>
      %dma_start3A_259 = tpu.memref_squeeze %dma_start3A_258 : memref<1x1x128xf32, #tpu.memory_space<hbm>> -> memref<128xf32, #tpu.memory_space<hbm>>
      %dma_start3A_260 = arith.constant 0 : i32
      %dma_start3A_261 = tpu.memref_slice %arg4[%run_scoped3A_250, %add3A, %dma_start3A_260] : memref<2x32x128xf32, #tpu.memory_space<hbm>> -> memref<1x1x128xf32, #tpu.memory_space<hbm>>
      %dma_start3A_262 = tpu.memref_squeeze %dma_start3A_261 : memref<1x1x128xf32, #tpu.memory_space<hbm>> -> memref<128xf32, #tpu.memory_space<hbm>>
      %dma_start3A_263 = arith.constant 0 : i32
      %dma_start3A_264 = tpu.memref_slice %arg7[%run_scoped3A, %dma_start3A_263] : memref<2x128xf32, #tpu.memory_space<vmem>> -> memref<1x128xf32, #tpu.memory_space<vmem>>
      %dma_start3A_265 = tpu.memref_squeeze %dma_start3A_264 : memref<1x128xf32, #tpu.memory_space<vmem>> -> memref<128xf32, #tpu.memory_space<vmem>>
      tpu.enqueue_dma source(%dma_start3A_265 : memref<128xf32, #tpu.memory_space<vmem>>) target(%dma_start3A_262 : memref<128xf32, #tpu.memory_space<hbm>>) target_semaphore(%run_scoped3A_253 : memref<!tpu.dma_semaphore, #tpu.memory_space<semaphore_mem>>)
      %dma_wait3A_266 = arith.constant 0 : i32
      %dma_wait3A_267 = tpu.memref_slice %arg7[%run_scoped3A, %dma_wait3A_266] : memref<2x128xf32, #tpu.memory_space<vmem>> -> memref<1x128xf32, #tpu.memory_space<vmem>>
      %dma_wait3A_268 = tpu.memref_squeeze %dma_wait3A_267 : memref<1x128xf32, #tpu.memory_space<vmem>> -> memref<128xf32, #tpu.memory_space<vmem>>
      %dma_wait3A_269 = arith.constant 0 : i32
      %dma_wait3A_270 = tpu.memref_slice %arg4[%run_scoped3A_250, %add3A, %dma_wait3A_269] : memref<2x32x128xf32, #tpu.memory_space<hbm>> -> memref<1x1x128xf32, #tpu.memory_space<hbm>>
      %dma_wait3A_271 = tpu.memref_squeeze %dma_wait3A_270 : memref<1x1x128xf32, #tpu.memory_space<hbm>> -> memref<128xf32, #tpu.memory_space<hbm>>
      %dma_wait3A_272 = arith.constant 0 : i32
      %dma_wait3A_273 = tpu.memref_slice %arg4[%run_scoped3A_250, %add3A, %dma_wait3A_272] : memref<2x32x128xf32, #tpu.memory_space<hbm>> -> memref<1x1x128xf32, #tpu.memory_space<hbm>>
      %dma_wait3A_274 = tpu.memref_squeeze %dma_wait3A_273 : memref<1x1x128xf32, #tpu.memory_space<hbm>> -> memref<128xf32, #tpu.memory_space<hbm>>
      %dma_wait3A_275 = arith.constant 0 : i32
      %dma_wait3A_276 = tpu.memref_slice %arg7[%run_scoped3A, %dma_wait3A_275] : memref<2x128xf32, #tpu.memory_space<vmem>> -> memref<1x128xf32, #tpu.memory_space<vmem>>
      %dma_wait3A_277 = tpu.memref_squeeze %dma_wait3A_276 : memref<1x128xf32, #tpu.memory_space<vmem>> -> memref<128xf32, #tpu.memory_space<vmem>>
      tpu.wait_dma2 semaphore(%run_scoped3A_253 : memref<!tpu.dma_semaphore, #tpu.memory_space<semaphore_mem>>) src(%dma_wait3A_277 : memref<128xf32, #tpu.memory_space<vmem>>) dst(%dma_wait3A_274 : memref<128xf32, #tpu.memory_space<hbm>>)
      tpu.yield
    }) : () -> ()
    %run_scoped3A_251 = arith.constant 1 : i32
    %run_scoped3A_252 = arith.constant 1 : i32
    "tpu.region"() ({
      %run_scoped3A_253 = tpu.sem_alloc : memref<!tpu.dma_semaphore, #tpu.memory_space<semaphore_mem>>
      %dma_start3A_254 = arith.constant 0 : i32
      %dma_start3A_255 = tpu.memref_slice %arg7[%run_scoped3A_251, %dma_start3A_254] : memref<2x128xf32, #tpu.memory_space<vmem>> -> memref<1x128xf32, #tpu.memory_space<vmem>>
      %dma_start3A_256 = tpu.memref_squeeze %dma_start3A_255 : memref<1x128xf32, #tpu.memory_space<vmem>> -> memref<128xf32, #tpu.memory_space<vmem>>
      %dma_start3A_257 = arith.constant 0 : i32
      %dma_start3A_258 = tpu.memref_slice %arg4[%run_scoped3A_252, %add3A, %dma_start3A_257] : memref<2x32x128xf32, #tpu.memory_space<hbm>> -> memref<1x1x128xf32, #tpu.memory_space<hbm>>
      %dma_start3A_259 = tpu.memref_squeeze %dma_start3A_258 : memref<1x1x128xf32, #tpu.memory_space<hbm>> -> memref<128xf32, #tpu.memory_space<hbm>>
      %dma_start3A_260 = arith.constant 0 : i32
      %dma_start3A_261 = tpu.memref_slice %arg4[%run_scoped3A_252, %add3A, %dma_start3A_260] : memref<2x32x128xf32, #tpu.memory_space<hbm>> -> memref<1x1x128xf32, #tpu.memory_space<hbm>>
      %dma_start3A_262 = tpu.memref_squeeze %dma_start3A_261 : memref<1x1x128xf32, #tpu.memory_space<hbm>> -> memref<128xf32, #tpu.memory_space<hbm>>
      %dma_start3A_263 = arith.constant 0 : i32
      %dma_start3A_264 = tpu.memref_slice %arg7[%run_scoped3A_251, %dma_start3A_263] : memref<2x128xf32, #tpu.memory_space<vmem>> -> memref<1x128xf32, #tpu.memory_space<vmem>>
      %dma_start3A_265 = tpu.memref_squeeze %dma_start3A_264 : memref<1x128xf32, #tpu.memory_space<vmem>> -> memref<128xf32, #tpu.memory_space<vmem>>
      tpu.enqueue_dma source(%dma_start3A_265 : memref<128xf32, #tpu.memory_space<vmem>>) target(%dma_start3A_262 : memref<128xf32, #tpu.memory_space<hbm>>) target_semaphore(%run_scoped3A_253 : memref<!tpu.dma_semaphore, #tpu.memory_space<semaphore_mem>>)
      %dma_wait3A_266 = arith.constant 0 : i32
      %dma_wait3A_267 = tpu.memref_slice %arg7[%run_scoped3A_251, %dma_wait3A_266] : memref<2x128xf32, #tpu.memory_space<vmem>> -> memref<1x128xf32, #tpu.memory_space<vmem>>
      %dma_wait3A_268 = tpu.memref_squeeze %dma_wait3A_267 : memref<1x128xf32, #tpu.memory_space<vmem>> -> memref<128xf32, #tpu.memory_space<vmem>>
      %dma_wait3A_269 = arith.constant 0 : i32
      %dma_wait3A_270 = tpu.memref_slice %arg4[%run_scoped3A_252, %add3A, %dma_wait3A_269] : memref<2x32x128xf32, #tpu.memory_space<hbm>> -> memref<1x1x128xf32, #tpu.memory_space<hbm>>
      %dma_wait3A_271 = tpu.memref_squeeze %dma_wait3A_270 : memref<1x1x128xf32, #tpu.memory_space<hbm>> -> memref<128xf32, #tpu.memory_space<hbm>>
      %dma_wait3A_272 = arith.constant 0 : i32
      %dma_wait3A_273 = tpu.memref_slice %arg4[%run_scoped3A_252, %add3A, %dma_wait3A_272] : memref<2x32x128xf32, #tpu.memory_space<hbm>> -> memref<1x1x128xf32, #tpu.memory_space<hbm>>
      %dma_wait3A_274 = tpu.memref_squeeze %dma_wait3A_273 : memref<1x1x128xf32, #tpu.memory_space<hbm>> -> memref<128xf32, #tpu.memory_space<hbm>>
      %dma_wait3A_275 = arith.constant 0 : i32
      %dma_wait3A_276 = tpu.memref_slice %arg7[%run_scoped3A_251, %dma_wait3A_275] : memref<2x128xf32, #tpu.memory_space<vmem>> -> memref<1x128xf32, #tpu.memory_space<vmem>>
      %dma_wait3A_277 = tpu.memref_squeeze %dma_wait3A_276 : memref<1x128xf32, #tpu.memory_space<vmem>> -> memref<128xf32, #tpu.memory_space<vmem>>
      tpu.wait_dma2 semaphore(%run_scoped3A_253 : memref<!tpu.dma_semaphore, #tpu.memory_space<semaphore_mem>>) src(%dma_wait3A_277 : memref<128xf32, #tpu.memory_space<vmem>>) dst(%dma_wait3A_274 : memref<128xf32, #tpu.memory_space<hbm>>)
      tpu.yield
    }) : () -> ()
    return
  }
}

module attributes {stable_mosaic.version = 14 : i64} {
  func.func @_matvec_main_body(%arg0: i32, %arg1: memref<1xf32, #tpu.memory_space<smem>>, %arg2: memref<1x64xf32, #tpu.memory_space<vmem>>, %arg3: memref<64x62464xf32, #tpu.memory_space<vmem>>, %arg4: memref<62464xf32, #tpu.memory_space<vmem>>) attributes {dimension_semantics = [#tpu.dimension_semantics<arbitrary>], iteration_bounds = array<i64: 16>, scalar_prefetch = 0 : i64, scratch_operands = 0 : i64, tpu.core_type = #tpu.core_type<tc>, window_params = [{transform_indices = @transform_0, window_bounds = array<i64: 1>}, {pipeline_mode = #tpu.pipeline_mode<synchronous>, transform_indices = @transform_1, window_bounds = array<i64: 1, 64>}, {transform_indices = @transform_2, window_bounds = array<i64: 64, 62464>}, {transform_indices = @transform_3, window_bounds = array<i64: 62464>}]} {
    %get3A = arith.constant 0 : index
    %get3A_0 = arith.constant 0 : index
    %get3A_1 = vector.load %arg2[%get3A, %get3A_0] : memref<1x64xf32, #tpu.memory_space<vmem>>, vector<1x64xf32>
    %get3A_2 = arith.constant 0 : index
    %get3A_3 = arith.constant 0 : index
    %get3A_4 = vector.load %arg3[%get3A_2, %get3A_3] : memref<64x62464xf32, #tpu.memory_space<vmem>>, vector<64x62464xf32>
    %dot_general3A = arith.constant dense<0.000000e+00> : vector<1x62464xf32>
    %dot_general3A_5 = tpu.matmul %get3A_1, %get3A_4, %dot_general3A {dimension_numbers = #tpu.dot_dimension_numbers<[1], [0], [0], [1], [0, 0, 1, 1], [], []>, transpose_lhs_hint = false} : vector<1x64xf32>, vector<64x62464xf32>, vector<1x62464xf32> -> vector<1x62464xf32>
    %squeeze3A = vector.shape_cast %dot_general3A_5 : vector<1x62464xf32> to vector<62464xf32>
    %get3A_6 = arith.constant 0 : index
    %get3A_7 = memref.load %arg1[%get3A_6] : memref<1xf32, #tpu.memory_space<smem>>
    %add3A = vector.broadcast %get3A_7 : f32 to vector<62464xf32>
    %add3A_8 = arith.addf %squeeze3A, %add3A : vector<62464xf32>
    %swap3A = arith.constant 0 : index
    %swap3A_9 = vector.load %arg4[%swap3A] : memref<62464xf32, #tpu.memory_space<vmem>>, vector<62464xf32>
    tpu.vector_store %arg4[%swap3A], %add3A_8 {strides = array<i32>} : memref<62464xf32, #tpu.memory_space<vmem>>, vector<62464xf32>,
    return
  }
  func.func @transform_0(%arg0: i32) -> i32 {
    %c0_i32 = arith.constant 0 : i32
    %c0_i32_0 = arith.constant 0 : i32
    return %c0_i32 : i32
  }
  func.func @transform_1(%arg0: i32) -> (i32, i32) {
    %c0_i32 = arith.constant 0 : i32
    %c0_i32_0 = arith.constant 0 : i32
    %c0_i32_1 = arith.constant 0 : i32
    return %c0_i32, %c0_i32_0 : i32, i32
  }
  func.func @transform_2(%arg0: i32) -> (i32, i32) {
    %c0_i32 = arith.constant 0 : i32
    %c0_i32_0 = arith.constant 0 : i32
    return %c0_i32, %arg0 : i32, i32
  }
  func.func @transform_3(%arg0: i32) -> i32 {
    %c0_i32 = arith.constant 0 : i32
    return %arg0 : i32
  }
}

module attributes {stable_mosaic.version = 14 : i64} {
  func.func @_matvec_tail_body(%arg0: i32, %arg1: memref<1xf32, #tpu.memory_space<smem>>, %arg2: memref<1x64xf32, #tpu.memory_space<vmem>>, %arg3: memref<576x64xf32, #tpu.memory_space<vmem>>, %arg4: memref<1000448xf32, #tpu.memory_space<any>>, %arg5: memref<1024xf32, #tpu.memory_space<vmem>>) attributes {dimension_semantics = [#tpu.dimension_semantics<arbitrary>], iteration_bounds = array<i64: 1>, scalar_prefetch = 0 : i64, scratch_operands = 0 : i64, tpu.core_type = #tpu.core_type<tc>, window_params = [{transform_indices = @transform_0, window_bounds = array<i64: 1>}, {pipeline_mode = #tpu.pipeline_mode<synchronous>, transform_indices = @transform_1, window_bounds = array<i64: 1, 64>}, {pipeline_mode = #tpu.pipeline_mode<synchronous>, transform_indices = @transform_2, window_bounds = array<i64: 576, 64>}, {}, {transform_indices = @transform_4, window_bounds = array<i64: 1024>}]} {
    %get3A = arith.constant 0 : index
    %get3A_0 = arith.constant 0 : index
    %get3A_1 = vector.load %arg3[%get3A, %get3A_0] : memref<576x64xf32, #tpu.memory_space<vmem>>, vector<576x64xf32>
    %get3A_2 = arith.constant 0 : index
    %get3A_3 = arith.constant 0 : index
    %get3A_4 = vector.load %arg2[%get3A_2, %get3A_3] : memref<1x64xf32, #tpu.memory_space<vmem>>, vector<1x64xf32>
    %dot_general3A = arith.constant dense<0.000000e+00> : vector<576x1xf32>
    %dot_general3A_5 = tpu.matmul %get3A_1, %get3A_4, %dot_general3A {dimension_numbers = #tpu.dot_dimension_numbers<[1], [1], [0], [0], [0, 0, 1, 0], [], []>, transpose_lhs_hint = false} : vector<576x64xf32>, vector<1x64xf32>, vector<576x1xf32> -> vector<576x1xf32>
    %squeeze3A = vector.shape_cast %dot_general3A_5 : vector<576x1xf32> to vector<576xf32>
    %get3A_6 = arith.constant 0 : index
    %get3A_7 = memref.load %arg1[%get3A_6] : memref<1xf32, #tpu.memory_space<smem>>
    %add3A = vector.broadcast %get3A_7 : f32 to vector<576xf32>
    %add3A_8 = arith.addf %squeeze3A, %add3A : vector<576xf32>
    %swap3A = arith.constant 0 : index
    %swap3A_9 = vector.load %arg5[%swap3A] : memref<1024xf32, #tpu.memory_space<vmem>>, vector<576xf32>
    tpu.vector_store %arg5[%swap3A], %add3A_8 {strides = array<i32>} : memref<1024xf32, #tpu.memory_space<vmem>>, vector<576xf32>,
    return
  }
  func.func @transform_0(%arg0: i32) -> i32 {
    %c0_i32 = arith.constant 0 : i32
    %c0_i32_0 = arith.constant 0 : i32
    return %c0_i32 : i32
  }
  func.func @transform_1(%arg0: i32) -> (i32, i32) {
    %c0_i32 = arith.constant 0 : i32
    %c0_i32_0 = arith.constant 0 : i32
    %c0_i32_1 = arith.constant 0 : i32
    return %c0_i32, %c0_i32_0 : i32, i32
  }
  func.func @transform_2(%arg0: i32) -> (i32, i32) {
    %c0_i32 = arith.constant 0 : i32
    %c0_i32_0 = arith.constant 0 : i32
    %c0_i32_1 = arith.constant 0 : i32
    return %c0_i32, %c0_i32_0 : i32, i32
  }
  func.func @transform_4(%arg0: i32) -> i32 {
    %c976_i32 = arith.constant 976 : i32
    %c0_i32 = arith.constant 0 : i32
    return %c976_i32 : i32
  }
}

</mosaic_0001>

<sc_bundles>
// kernel: kernel.5.cloned.1.call-start
scs
__scs_entry_jumppad:
0x0: {  	(pc) =	sbr.rel $0x88, $3  }
0x1: {  	(tag) =	ssettag $0x0;
	lr =	simm.s32 $0x1  }
0x2: {  	[smem:$0x3F9D] =	sst lr;
	_ =	strace $0xD0000000  }
0x3: {  	_ = 	snop  }
0x4: {  	_ = 	snop  }
0x5: {  	_ = 	snop  }
0x6: {  	_ = 	snop  }
0x7: {  	_ = 	snop  }
__scs_overlays_trampoline_lowered:
0x8: {  	[smem:$0x3FAC] =	sst s0  }
0x9: {  	[smem:$0x3FAD] =	sst s1  }
0xa: {  	[smem:$0x3FAE] =	sst s2  }
0xb: {  	[smem:$0x3FAF] =	sst s3  }
0xc: {  	[smem:$0x3FB0] =	sst s4  }
0xd: {  	[smem:$0x3FB1] =	sst s5  }
0xe: {  	[smem:$0x3FB2] =	sst s6  }
0xf: {  	[smem:$0x3FB3] =	sst s7  }
0x10: {  	[smem:$0x3FB4] =	sst s8  }
0x11: {  	[smem:$0x3FB5] =	sst s9;
	s0 =	simm.s32 @!p0 $0x0  }
0x12: {  	s1 =	sld [smem:$0x3F9B];
	s0 =	simm.s32 @p0 $0x1  }
0x13: {  	[smem:$0x3FB6] =	sst s0;
	s0 =	simm.s32 @!p1 $0x0  }
0x14: {  	s2 =	sld [smem:$0x3F9A];
	s0 =	simm.s32 @p1 $0x1  }
0x15: {  	[smem:$0x3FB7] =	sst s0;
	s0 =	simm.s32 @!p2 $0x0  }
0x16: {  	s3 =	sld [smem:$0x3FDB];
	s0 =	simm.s32 @p2 $0x1  }
0x17: {  	s4 =	simm.s32 $0x1BF5;
	[smem:$0x3FB9] =	sst s0  }
0x18: {  	s0 =	sld [smem:$0x3F9C];
	_ =	swait.ge [sflag:s4], $0x0  }
0x19: {  	s7 =	sld [smem:$0x3F9D]  }
0x1a: {  	s8 =	sadd.s32 $0xFFFFE003, lr  }
0x1b: {  	s9 =	sadd.s32 $0xFFFFFEF7, lr;
	s5 =	simm.s32 $0xFFFFFFFF;
	p2 =	slt.u32 s8, $0xFFFFF086  }
0x1c: {  	p1 =	slt.u32 s9, $0xF7A;
	s5 =	simm.s32 @!p2 $0x0  }
0x1d: {  	s5 =	simm.s32 @p1 $0x1;
	p0 =	seq.s32 s7, s2  }
0x1e: {  	s7 =	smul.u32 @!p0 $0xF7A, s2;
	p2 =	seq.s32 @!p0 s5, $0x0  }
0x1f: {  	s9 =	smul.u32 $0xF7A, s1;
	s8 =	simm.s32 @!p0 $0x1BF5;
	p2 =	por !p2, p0  }
0x20: {  	[sflag:s8] =	ssyncset.s32 @!p0 $0xFFFFF086;
	s6 =	sadd.s32 @!p0 s3, s7;
	s7 =	simm.s32 @!p0 $0x108  }
0x21: {  	s3 =	sadd.s32 s3, s9;
	s6 =	sadd.s32 @!p0 $0x88, s6;
	s7 =	simm.s32 @p2 $0x1082  }
0x22: {  	[simem:s7], [sflag:s8] =	dma.local @!p0 [hbm:s6], $0xF7A  }
0x23: {  	s9 =	sor.u32 $0xD0000000, s2;
	s6 =	simm.s32 $0x108;
	_ =	swait.ge @!p0 [sflag:s8], $0x0  }
0x24: {  	s3 =	sadd.s32 $0x88, s3;
	s6 =	simm.s32 @!p1 $0x1082;
	[sflag:s4] =	ssyncset.s32 $0xFFFFF086  }
0x25: {  	[simem:s6], [sflag:s4] =	dma.local [hbm:s3], $0xF7A  }
0x26: {  	[smem:$0x3F9D] =	sst s1;
	(tag) =	ssettag s2;
	_ =	strace s9  }
0x27: {  	s1 =	sld [smem:$0x3FAD]  }
0x28: {  	s2 =	sld [smem:$0x3FAE]  }
0x29: {  	s4 =	sld [smem:$0x3FB0]  }
0x2a: {  	p0 =	seq.s32 s5, $0x0;
	s5 =	sld [smem:$0x3FB1]  }
0x2b: {  	s6 =	sld [smem:$0x3FB2]  }
0x2c: {  	s7 =	sld [smem:$0x3FB3]  }
0x2d: {  	s3 =	simm.s32 $0x108;
	s8 =	sld [smem:$0x3FB4]  }
0x2e: {  	s3 =	simm.s32 @!p0 $0x1082;
	s9 =	sld [smem:$0x3FB5]  }
0x2f: {  	lr =	sadd.s32 s0, s3;
	s0 =	sld [smem:$0x3FAC]  }
0x30: {  	s3 =	sld [smem:$0x3FAF]  }
0x31: {  	[smem:$0x3FB8] =	sst s10  }
0x32: {  	s10 =	sld [smem:$0x3FB6];
	_ =	sdelay $0x3  }
0x33: {  	p0 =	seq.s32 s10, $0x1;
	s10 =	sld [smem:$0x3FB8];
	_ =	sdelay $0x3  }
0x34: {  	[smem:$0x3FB8] =	sst s10  }
0x35: {  	s10 =	sld [smem:$0x3FB7];
	_ =	sdelay $0x3  }
0x36: {  	p1 =	seq.s32 s10, $0x1;
	s10 =	sld [smem:$0x3FB8];
	_ =	sdelay $0x3  }
0x37: {  	[smem:$0x3FB8] =	sst s10  }
0x38: {  	s10 =	sld [smem:$0x3FB9]  }
0x39: {  	_ = 	snop;
	(pc) =	sbr.ind lr, $3  }
0x3a: {  	_ = 	snop  }
0x3b: {  	_ = 	snop  }
0x3c: {  	p2 =	seq.s32 s10, $0x1;
	s10 =	sld [smem:$0x3FB8]  }
0x3d: {  	_ =	shalt  }
0x3e: {  	_ =	shalt  }
0x3f: {  	_ =	shalt  }
0x40: {  	_ =	shalt  }
0x41: {  	_ =	shalt  }
0x42: {  	_ =	shalt  }
0x43: {  	_ =	shalt  }
0x44: {  	_ =	shalt  }
0x45: {  	_ =	shalt  }
0x46: {  	_ =	shalt  }
0x47: {  	_ =	shalt  }
0x48: {  	_ =	shalt  }
0x49: {  	_ =	shalt  }
0x4a: {  	_ =	shalt  }
0x4b: {  	_ =	shalt  }
0x4c: {  	_ =	shalt  }
0x4d: {  	_ =	shalt  }
0x4e: {  	_ =	shalt  }
0x4f: {  	_ =	shalt  }
0x50: {  	_ =	shalt  }
0x51: {  	_ =	shalt  }
0x52: {  	_ =	shalt  }
0x53: {  	_ =	shalt  }
0x54: {  	_ =	shalt  }
0x55: {  	_ =	shalt  }
0x56: {  	_ =	shalt  }
0x57: {  	_ =	shalt  }
0x58: {  	_ =	shalt  }
0x59: {  	_ =	shalt  }
0x5a: {  	_ =	shalt  }
0x5b: {  	_ =	shalt  }
0x5c: {  	_ =	shalt  }
0x5d: {  	_ =	shalt  }
0x5e: {  	_ =	shalt  }
0x5f: {  	_ =	shalt  }
0x60: {  	_ =	shalt  }
0x61: {  	_ =	shalt  }
0x62: {  	_ =	shalt  }
0x63: {  	_ =	shalt  }
0x64: {  	_ =	shalt  }
0x65: {  	_ =	shalt  }
0x66: {  	_ =	shalt  }
0x67: {  	_ =	shalt  }
0x68: {  	_ =	shalt  }
0x69: {  	_ =	shalt  }
0x6a: {  	_ =	shalt  }
0x6b: {  	_ =	shalt  }
0x6c: {  	_ =	shalt  }
0x6d: {  	_ =	shalt  }
0x6e: {  	_ =	shalt  }
0x6f: {  	_ =	shalt  }
0x70: {  	_ =	shalt  }
0x71: {  	_ =	shalt  }
0x72: {  	_ =	shalt  }
0x73: {  	_ =	shalt  }
0x74: {  	_ =	shalt  }
0x75: {  	_ =	shalt  }
0x76: {  	_ =	shalt  }
0x77: {  	_ =	shalt  }
0x78: {  	_ =	shalt  }
0x79: {  	_ =	shalt  }
0x7a: {  	_ =	shalt  }
0x7b: {  	_ =	shalt  }
0x7c: {  	_ =	shalt  }
0x7d: {  	_ =	shalt  }
0x7e: {  	_ =	shalt  }
0x7f: {  	_ =	shalt  }
0x80: {  	_ =	shalt  }
0x81: {  	_ =	shalt  }
0x82: {  	_ =	shalt  }
0x83: {  	_ =	shalt  }
0x84: {  	_ =	shalt  }
0x85: {  	_ =	shalt  }
0x86: {  	_ =	shalt  }
0x87: {  	_ =	shalt  }
.Lfunc_end0:
.L_simem_size_0:
called_computation_lowered:
.L_overlay_start_0:
0x88: {  	s2 =	sld [smem:$0x3FD9]  }
0x89: {  	s3 =	sld [smem:$0x3FFE];
	_ =	sdelay $0x1  }
0x8a: {  	s1 =	srdreg.scid  }
0x8b: {  	s0 =	sand.u32 $0x1, s1  }
0x8c: {  	s16 =	sshll.u32 s0, $0xA;
	s2 =	sadd.s32 s3, s2  }
0x8d: {  	s2 =	sadd.s32 s2, s16  }
0x8e: {  	[smem:$0x3FC4] =	sst s2  }
0x8f: {  	_ = 	snop  }
0x90: {  	(tm) =	ssettm $0x1  }
0x91: {  	s17 =	sld [smem:$0x3FFB];
	_ =	sdelay $0x3  }
0x92: {  	_ =	strace s17  }
0x93: {  	s2 =	sld [smem:$0x3FFC];
	_ =	sdelay $0x3  }
0x94: {  	_ =	strace s2  }
0x95: {  	s2 =	sld [smem:$0x3FFD];
	_ =	sdelay $0x3  }
0x96: {  	_ =	strace s2  }
0x97: {  	_ =	strace $0x8FFFFFFF  }
0x98: {  	s18 =	sld [smem:$0x3FDB];
	_ =	sdelay $0x1  }
0x99: {  	s19 =	simm.s32 $_scs_section_size  }
0x9a: {  	s4 =	simm.s32 $_size__tile_overlayer_lowered;
	s5 =	simm.s32 $_tile_overlayer_lowered  }
0x9b: {  	s22 =	simm.s32 $0x1BFF;
	s21 =	sshll.u32 s5, $0x1;
	s2 =	sadd.s32 s19, s18  }
0x9c: {  	s6 =	simm.s32 $0x0;
	s20 =	sshll.u32 s4, $0x1;
	s4 =	sadd.s32 s21, s2  }
0x9d: {  	[timem:s6], [sflag:s22] =	dma.local [hbm:s4], s20  }
0x9e: {  	_ =	swait.ge [sflag:s22], s20  }
0x9f: {  	s3 =	ssub.s32 $0x0, s20;
	[sflag:s22] =	ssyncset.done $0x0  }
0xa0: {  	[sflag:s22] =	ssyncadd.s32 s3;
	_ =	sdelay $0x1  }
0xa1: {  	s23 =	simm.s32 $0x1B8B  }
0xa2: {  	_ =	swait.ge [sflag:s23], $0x1  }
0xa3: {  	[sflag:s23] =	ssyncset.done $0x0  }
0xa4: {  	s25 =	simm.s32 $0x1B8E;
	s24 =	sld [smem:$0x3FFE];
	[sflag:s23] =	ssyncadd.s32 $0xFFFFFFFF  }
0xa5: {  	s26 =	simm.s32 $execute0_lowered;
	[smem:$0x3FD2] =	sst s25  }
0xa6: {  	s4 =	sshll.u32 s26, $0x1;
	_ =	strace $0x80000046;
	[dreg:$0x1] =	wrdreg $0xFFFFFFFF  }
0xa7: {  	s28 =	simm.s32 $_size_execute0_lowered;
	s2 =	sadd.s32 s2, s4;
	[dreg:$0x0] =	wrdreg $0x0  }
0xa8: {  	s4 =	sshll.u32 s28, $0x1;
	[dreg:$0x2] =	wrdreg s2  }
0xa9: {  	[dreg:$0x3] =	wrdreg s4  }
0xaa: {  	[dreg:$0x4] =	wrdreg $0xC0  }
0xab: {  	_ =	task [dreg:s6], $0x5FFFF  }
0xac: {  	[dreg:$0x1] =	wrdreg $0xFFFFFFFF  }
0xad: {  	[dreg:$0x0] =	wrdreg $0x60  }
0xae: {  	[dreg:$0x2] =	wrdreg s24  }
0xaf: {  	[dreg:$0x3] =	wrdreg $0xC9000  }
0xb0: {  	[dreg:$0x4] =	wrdreg $0x9  }
0xb1: {  	_ =	task.clear_ibuf [dreg:s6], $0x5FFFF;
	_ =	strace $0x90000046  }
0xb2: {  	s29 =	simm.s32 $0x9;
	_ =	strace $0x80000048  }
0xb3: {  	_ =	swait.ge [sflag:s29], $0x1  }
0xb4: {  	[sflag:s29] =	ssyncadd.s32 $0xFFFFFFFF  }
0xb5: {  	_ =	strace $0x90000048  }
0xb6: {  	_ =	sfence  }
0xb7: {  	s30 =	sld [smem:$0x0];
	_ =	sdelay $0x2  }
0xb8: {  	s31 =	sshll.u32 s1, $0xD;
	s1 =	sshrl.u32 s1, $0x2  }
0xb9: {  	s3 =	sand.u32 $0x4000, s31;
	s1 =	sadd.s32 s1, s30  }
0xba: {  	s0 =	sor.u32 s3, s0;
	s1 =	sshll.u32 s1, $0x11  }
0xbb: {  	s0 =	sor.u32 s1, s0  }
0xbc: {  	s0 =	sadd.s32 $0x8F2B, s0  }
0xbd: {  	[sflag:s0] =	ssyncadd.remote.s32 $0x1  }
0xbe: {  	_ =	sfence.sel $0xFFFF  }
0xbf: {  	[dreg:$0x0] =	wrdreg $0xFFFFFFFF;
	(pc) =	sbr.abs _section_cstart, $3  }
0xc0: {  	[dreg:$0x1] =	wrdreg $0xFFFFFFFF  }
0xc1: {  	_ =	task.clear_ibuf [dreg:s6], $0x2FFFF;
	_ =	strace $0x9FFFFFFF  }
0xc2: {  	(tm) =	ssettm $0x7FFFFFFF  }
0xc3: {  	_ =	shalt  }
tec
execute0_lowered:
.L_overlay_start_1:
0x0: {  	(tag) =	ssettag $0x1  }
0x1: {  	s5 =	rddreg [dreg:$0x0]  }
0x2: {  	s1 =	rddreg [dreg:$0x1]  }
0x3: {  	s0 =	rddreg [dreg:$0x2];
	s2 =	simm.s32 $0x0;
	s3 =	srdreg.scid  }
0x4: {  	s10 =	stileid.u32;
	s14 =	simm.s32 $0x2;
	s15 =	simm.s32 $0x1  }
0x5: {  	s16 =	simm.s32 $0x6400;
	s17 =	simm.s32 $0xC800;
	s18 =	simm.s32 $0xC880  }
0x6: {  	s19 =	simm.s32 $0x0;
	s22 =	simm.s32 $0x0;
	s3 =	sand.u32 $0x1, s3  }
0x7: {  	s4 =	sshrl.u32 s10, $0x2;
	s6 =	sshll.u32 s10, $0x8;
	[smem:$0x7FF] =	sst s2  }
0x8: {  	s29 =	smul.u32 $0xF000, s10;
	s31 =	sshll.u32 s10, $0x6;
	s13 =	sadd.s32 $0xF0000, s1  }
0x9: {  	p0 =	sne.s32 s10, $0x0;
	s7 =	sshll.u32 s3, $0x7;
	s6 =	sand.u32 $0x300, s6  }
0xa: {  	s8 =	smul.u32 $0x32000, s4;
	_ =	strace $0x80000047;
	s4 =	sshll.u32 s4, $0xA  }
0xb: {  	s3 =	ssub.s32 $0x2, s3;
	s6 =	sor.u32 s7, s6;
	s30 =	sshrl.u32 s29, $0x3  }
0xc: {  	s9 =	sshrl.u32 s3, $0x1;
	s12 =	sadd.s32 s29, s1;
	s7 =	sor.u32 s8, s6  }
0xd: {  	s4 =	sor.u32 s4, s6;
	s6 =	sadd.s32 s30, s5;
	s9 =	ssub.s32 s3, s9  }
0xe: {  	s10 =	sshrl.u32 s12, $0x3;
	s12 =	simm.s32 $0x80;
	s7 =	sshrl.u32 s7, $0x3  }
0xf: {  	s4 =	sshrl.u32 s4, $0x3;
	s3 =	sadd.s32 $0x19C00, s6;
	s9 =	smax.u32 s9, $0x1  }
0x10: {  	s7 =	sadd.s32 s7, s5;
	s11 =	sadd.s32 s4, s5;
	s4 =	sor.u32 $0x1C01, s31  }
0x11: {  	s5 =	sadd.s32 $0x37C00, s5;
	s6 =	sadd.s32 $0xC00, s7;
	s7 =	sadd.s32 $0x38600, s11  }
0x12: {  	s8 =	sadd.s32 $0x38800, s11;
	s11 =	sshrl.u32 @!p0 s13, $0x3;
	s13 =	simm.s32 $0x400  }
.LBB2_1:
0x13: {  	[spmem:s10], [sflag:s4] =	dma.local [hbm:s3], $0x1E00  }
0x14: {  	s20 =	simm.s32 @!p0 $0x1  }
0x15: {  	[spmem:s11], [sflag:s4] =	dma.local @!p0 [hbm:s5], $0x880  }
0x16: {  	_ =	swait.ge @!p0 [sflag:s20], $0x880  }
0x17: {  	[sflag:s20] =	ssyncset.done @!p0 $0x0  }
0x18: {  	[sflag:s20] =	ssyncadd.s32 @!p0 $0xFFFFF780  }
0x19: {  	[tilespmem:s2], [sflag:$0x2] =	stream.strided.gather [hbm4b:s6+s12], $0x6400, s13, s12, $0x38;
	[tilespmem:$0x1BD40] =	vst v63  }
0x1a: {  	_ =	swait.ge [sflag:s14], $0x6400  }
0x1b: {  	[sflag:s14] =	ssyncset.done $0x0  }
0x1c: {  	[sflag:s14] =	ssyncadd.s32 $0xFFFF9C00  }
0x1d: {  	_ =	swait.ge [sflag:s15], $0x1E00  }
0x1e: {  	[sflag:s15] =	ssyncset.done $0x0  }
0x1f: {  	[sflag:s15] =	ssyncadd.s32 $0xFFFFE200  }
0x20: {  	[bflag:$0x0] =	sbarrier.arrive $0xFFFF  }
0x21: {  	[tilespmem:s16], [sflag:$0x1] =	stream.indirect.gather [spmem:s1], $0x1, s2, s16, $0xb8;
	[tilespmem:$0x1BD40] =	vst v63  }
0x22: {  	_ =	swait.ge [sflag:s15], $0x6400  }
0x23: {  	[sflag:s15] =	ssyncset.done $0x0  }
0x24: {  	[sflag:s15] =	ssyncadd.s32 $0xFFFF9C00  }
0x25: {  	v0 =	vld [tilespmem:s22+$0x6470]  }
0x26: {  	v1 =	vld [tilespmem:s22+$0x6400]  }
0x27: {  	v2 =	vld [tilespmem:s22+$0x6410]  }
0x28: {  	v10 =	vld [tilespmem:s22+$0x6420]  }
0x29: {  	v8 =	vld [tilespmem:s22+$0x6430]  }
0x2a: {  	v9 =	vimm.f32 $0.0e+00;
	v7 =	vimm.f32 $0.0e+00;
	v5 =	vld [tilespmem:s22+$0x6440]  }
0x2b: {  	v6 =	vimm.f32 $0.0e+00;
	v3 =	vimm.f32 $0.0e+00;
	v4 =	vld [tilespmem:s22+$0x6450];
	v0 =	vadd.f32 v0, v9  }
0x2c: {  	s21 =	simm.s32 $0x400;
	s20 =	simm.s32 $0x80;
	v12 =	vadd.f32 v1, v9;
	v11 =	vadd.f32 v2, v9;
	v2 =	vld [tilespmem:s22+$0x6460];
	v1 =	vimm.f32 $0.0e+00  }
.LBB2_2:
0x2d: {  	p1 =	sne.s32 s21, $0x18E00;
	v13 =	vld [tilespmem:s20+$0x6470];
	v9 =	vadd.f32 v10, v9  }
0x2e: {  	v14 =	vld [tilespmem:s20+$0x6400];
	v7 =	vadd.f32 v8, v7  }
0x2f: {  	v15 =	vld [tilespmem:s20+$0x6410];
	v6 =	vadd.f32 v5, v6  }
.Ltmp0:
0x30: {  	v10 =	vld [tilespmem:s20+$0x6420];
	v3 =	vadd.f32 v4, v3;
	(pc) =	sbr.rel @p1 .LBB2_2-.Ltmp0, $4  }
0x31: {  	v8 =	vld [tilespmem:s20+$0x6430];
	v1 =	vadd.f32 v2, v1  }
0x32: {  	v5 =	vld [tilespmem:s20+$0x6440];
	v0 =	vadd.f32 v13, v0  }
0x33: {  	v12 =	vadd.f32 v14, v12;
	v4 =	vld [tilespmem:s20+$0x6450]  }
0x34: {  	v11 =	vadd.f32 v15, v11;
	v2 =	vld [tilespmem:s20+$0x6460];
	s20 =	sshra.s32 s21, $0x2;
	s21 =	sadd.s32 $0x200, s21  }
0x35: {  	v13 =	vld [tilespmem:s20+$0x6400];
	_ =	sdelay $0x4  }
0x36: {  	v12 =	vadd.f32 v13, v12;
	_ =	sdelay $0x1  }
0x37: {  	v12 =	vmul.f32 $4.999999890e-03, v12;
	_ =	sdelay $0x1  }
0x38: {  	v12 =	vsub.f32 $0.0e+00, v12;
	_ =	sdelay $0x1  }
0x39: {  	v12 =	vmul.f32 $1.442695020e+00, v12;
	_ =	sdelay $0x1  }
0x3a: {  	v39 =	vld [tilespmem:s20+$0x6410];
	(erf) = vpow2.f32 v12;
	_ =	sdelay $0x4  }
0x3b: {  	v11 =	vadd.f32 v39, v11;
	_ =	sdelay $0x1  }
0x3c: {  	v11 =	vmul.f32 $4.999999890e-03, v11;
	_ =	sdelay $0x1  }
0x3d: {  	v11 =	vsub.f32 $0.0e+00, v11;
	v12 =	vpop (erf)  }
0x3e: {  	v12 =	vadd.f32 $1.000000000e+00, v12  }
0x3f: {  	v11 =	vmul.f32 $1.442695020e+00, v11  }
0x40: {  	(erf) = vrcp.f32 v12  }
0x41: {  	v40 =	vld [tilespmem:s20+$0x6420];
	(erf) = vpow2.f32 v11;
	_ =	sdelay $0x2  }
0x42: {  	v9 =	vadd.f32 v10, v9;
	_ =	sdelay $0x1  }
0x43: {  	v9 =	vadd.f32 v40, v9;
	_ =	sdelay $0x1  }
0x44: {  	v9 =	vmul.f32 $4.999999890e-03, v9  }
0x45: {  	v41 =	vpop (erf)  }
0x46: {  	v9 =	vsub.f32 $0.0e+00, v9;
	v11 =	vpop (erf)  }
0x47: {  	v11 =	vadd.f32 $1.000000000e+00, v11  }
0x48: {  	v9 =	vmul.f32 $1.442695020e+00, v9  }
0x49: {  	(erf) = vrcp.f32 v11  }
0x4a: {  	v42 =	vld [tilespmem:s20+$0x6430];
	(erf) = vpow2.f32 v9;
	_ =	sdelay $0x2  }
0x4b: {  	v7 =	vadd.f32 v8, v7;
	_ =	sdelay $0x1  }
0x4c: {  	v7 =	vadd.f32 v42, v7;
	_ =	sdelay $0x1  }
0x4d: {  	v7 =	vmul.f32 $4.999999890e-03, v7  }
0x4e: {  	v43 =	vpop (erf)  }
0x4f: {  	v7 =	vsub.f32 $0.0e+00, v7;
	v9 =	vpop (erf)  }
0x50: {  	v9 =	vadd.f32 $1.000000000e+00, v9  }
0x51: {  	v7 =	vmul.f32 $1.442695020e+00, v7  }
0x52: {  	(erf) = vrcp.f32 v9  }
0x53: {  	v44 =	vld [tilespmem:s20+$0x6440];
	(erf) = vpow2.f32 v7;
	_ =	sdelay $0x2  }
0x54: {  	v5 =	vadd.f32 v5, v6;
	_ =	sdelay $0x1  }
0x55: {  	v5 =	vadd.f32 v44, v5;
	_ =	sdelay $0x1  }
0x56: {  	v5 =	vmul.f32 $4.999999890e-03, v5  }
0x57: {  	v45 =	vpop (erf)  }
0x58: {  	v5 =	vsub.f32 $0.0e+00, v5;
	v7 =	vpop (erf)  }
0x59: {  	v7 =	vadd.f32 $1.000000000e+00, v7  }
0x5a: {  	v5 =	vmul.f32 $1.442695020e+00, v5  }
0x5b: {  	(erf) = vrcp.f32 v7  }
0x5c: {  	v46 =	vld [tilespmem:s20+$0x6450];
	(erf) = vpow2.f32 v5;
	_ =	sdelay $0x2  }
0x5d: {  	v3 =	vadd.f32 v4, v3;
	_ =	sdelay $0x1  }
0x5e: {  	v3 =	vadd.f32 v46, v3;
	_ =	sdelay $0x1  }
0x5f: {  	v3 =	vmul.f32 $4.999999890e-03, v3  }
0x60: {  	v47 =	vpop (erf)  }
0x61: {  	v3 =	vsub.f32 $0.0e+00, v3;
	v5 =	vpop (erf)  }
0x62: {  	v5 =	vadd.f32 $1.000000000e+00, v5  }
0x63: {  	v3 =	vmul.f32 $1.442695020e+00, v3  }
0x64: {  	(erf) = vrcp.f32 v5  }
0x65: {  	v48 =	vld [tilespmem:s20+$0x6460];
	(erf) = vpow2.f32 v3;
	_ =	sdelay $0x2  }
0x66: {  	v1 =	vadd.f32 v2, v1;
	_ =	sdelay $0x1  }
0x67: {  	v1 =	vadd.f32 v48, v1;
	_ =	sdelay $0x1  }
0x68: {  	v1 =	vmul.f32 $4.999999890e-03, v1  }
0x69: {  	v49 =	vpop (erf)  }
0x6a: {  	v1 =	vsub.f32 $0.0e+00, v1;
	v3 =	vpop (erf)  }
0x6b: {  	v3 =	vadd.f32 $1.000000000e+00, v3  }
0x6c: {  	v1 =	vmul.f32 $1.442695020e+00, v1  }
0x6d: {  	(erf) = vrcp.f32 v3  }
0x6e: {  	v50 =	vld [tilespmem:s20+$0x6470];
	(erf) = vpow2.f32 v1;
	_ =	sdelay $0x4  }
0x6f: {  	v0 =	vadd.f32 v50, v0;
	_ =	sdelay $0x1  }
0x70: {  	v0 =	vmul.f32 $4.999999890e-03, v0  }
0x71: {  	v51 =	vpop (erf)  }
0x72: {  	v0 =	vsub.f32 $0.0e+00, v0;
	v52 =	vpop (erf)  }
0x73: {  	v3 =	vadd.f32 $1.000000000e+00, v52  }
0x74: {  	v0 =	vmul.f32 $1.442695020e+00, v0  }
0x75: {  	(erf) = vrcp.f32 v3  }
0x76: {  	(erf) = vpow2.f32 v0;
	_ =	sdelay $0x7  }
0x77: {  	v54 =	vsub.f32 $1.000000000e+00, v41;
	v53 =	vpop (erf)  }
0x78: {  	[tilespmem:$0xC800] =	vst v41;
	v55 =	vpop (erf)  }
0x79: {  	[tilespmem:$0xC880] =	vst v54;
	v56 =	vsub.f32 $1.000000000e+00, v43;
	v5 =	vadd.f32 $1.000000000e+00, v55  }
0x7a: {  	[tilespmem:$0xC810] =	vst v43  }
0x7b: {  	[tilespmem:$0xC890] =	vst v56;
	v57 =	vsub.f32 $1.000000000e+00, v45;
	(erf) = vrcp.f32 v5  }
0x7c: {  	[tilespmem:$0xC820] =	vst v45  }
0x7d: {  	[tilespmem:$0xC8A0] =	vst v57;
	v58 =	vsub.f32 $1.000000000e+00, v47  }
0x7e: {  	[tilespmem:$0xC830] =	vst v47  }
0x7f: {  	[tilespmem:$0xC8B0] =	vst v58;
	v59 =	vsub.f32 $1.000000000e+00, v49  }
0x80: {  	[tilespmem:$0xC840] =	vst v49  }
0x81: {  	[tilespmem:$0xC8C0] =	vst v59;
	v60 =	vsub.f32 $1.000000000e+00, v51  }
0x82: {  	[tilespmem:$0xC850] =	vst v51  }
0x83: {  	[tilespmem:$0xC8D0] =	vst v60;
	v61 =	vsub.f32 $1.000000000e+00, v53  }
0x84: {  	[tilespmem:$0xC860] =	vst v53;
	v62 =	vpop (erf)  }
0x85: {  	[tilespmem:$0xC8E0] =	vst v61;
	v63 =	vsub.f32 $1.000000000e+00, v62  }
0x86: {  	[tilespmem:$0xC870] =	vst v62  }
0x87: {  	[tilespmem:$0xC8F0] =	vst v63  }
0x88: {  	[hbm4b:s7+s2] =	stream.linear.scatter [tilespmem:s17], [sflag:$0x2], $0x80, $0x38;
	[tilespmem:$0x1BD40] =	vst v63  }
0x89: {  	s19 =	sadd.s32 $0x1, s19;
	_ =	swait.ge [sflag:s14], $0x80  }
0x8a: {  	p1 =	sne.s32 s19, s9;
	[sflag:s14] =	ssyncset.done $0x0  }
.Ltmp1:
0x8b: {  	[sflag:s14] =	ssyncadd.s32 $0xFFFFFF80;
	(pc) =	sbr.rel @p1 .LBB2_1-.Ltmp1, $4  }
0x8c: {  	[hbm4b:s8+s2] =	stream.linear.scatter [tilespmem:s18], [sflag:$0x2], $0x80, $0x38;
	[tilespmem:$0x1BD40] =	vst v63  }
0x8d: {  	_ =	swait.ge [sflag:s14], $0x80  }
0x8e: {  	[sflag:s14] =	ssyncset.done $0x0  }
0x8f: {  	[sflag:s14] =	ssyncadd.s32 $0xFFFFFF80  }
0x90: {  	_ =	sfence.sel $0x180000  }
0x91: {  	[bflag:$0x0] =	sbarrier.arrive $0xFFFF  }
0x92: {  	_ =	strace $0x90000047  }
0x93: {  	s0 =	sadd.s32 @!p0 $0x100000, s0;
	[bflag:$0x2] =	sbarrier.arrive $0xFFFF  }
0x94: {  	[sflag:s0] =	ssyncadd.tile.s32 @!p0 $0x1;
	_ =	shalt  }
.Lfunc_end2:
_tile_overlayer_lowered:
.L_overlay_start_2:
0x95: {  	(tag) =	ssettag $0x2  }
0x96: {  	s0 =	rddreg [dreg:$0x0];
	s2 =	stileid.u32  }
0x97: {  	s1 =	rddreg [dreg:$0x1];
	p0 =	sne.s32 s2, $0x0  }
0x98: {  	s3 =	rddreg [dreg:$0x2];
	[bflag:$0x3] =	sbarrier.arrive $0xFFFF;
	s2 =	simm.s32 @!p0 $0x1C02  }
0x99: {  	[timem:s3], [sflag:s2] =	dma.local @!p0 [hbm:s0], s1  }
0x9a: {  	s0 =	simm.s32 @!p0 $0x2  }
0x9b: {  	_ =	swait.ge @!p0 [sflag:s0], s1  }
0x9c: {  	s1 =	ssub.s32 @!p0 $0x0, s1;
	[sflag:s0] =	ssyncset.done @!p0 $0x0  }
0x9d: {  	[sflag:s0] =	ssyncadd.s32 @!p0 s1  }
0x9e: {  	[bflag:$0x3] =	sbarrier.arrive $0xFFFF  }
0x9f: {  	_ =	shalt  }

</sc_bundles>
